<compile_context>
chip_gen: v7x
topology: tpu7x:2x2x1
jax: 0.10.2.dev20260603
libtpu: 0.0.44.dev20260713+nightly
codegen_flags: <defaults>
</compile_context>

<pallas_src>
import functools

import jax
import jax.numpy as jnp
import numpy as np
from jax import lax
from jax.experimental import pallas as pl
from jax.experimental.pallas import tpu as pltpu
from jax.experimental.pallas import tpu_sc as plsc

_NC, _NS, _LANES = 2, 16, 16
_NW = _NC * _NS
_CHUNK = 640
_IDXG = 128


def _proj_body(x_ref, w1_ref, b1_ref, pu_ref, pv_ref):
    d = x_ref.shape[1]
    w1 = w1_ref[...]
    wu = w1[0:d] + w1[2 * d:3 * d]
    wv = w1[d:2 * d] - w1[2 * d:3 * d]
    xb = x_ref[...]
    pu_ref[...] = (
        jnp.dot(xb, wu, preferred_element_type=jnp.float32) + b1_ref[...]
    )
    pv_ref[...] = jnp.dot(xb, wv, preferred_element_type=jnp.float32)


def _sc_gather_body(e_half, u_hbm, v_hbm, pu_hbm, pv_hbm,
                    gu_hbm, gv_hbm,
                    u_v, v_v, iu_v, iv_v, gu_v, gv_v, sem):
    h = pu_hbm.shape[1]
    wid = lax.axis_index("s") * _NC + lax.axis_index("c")
    half = wid % 2
    wl = wid // 2
    n_chunks_half = e_half // _CHUNK
    n_floor = n_chunks_half // (_NW // 2)
    n_rem = n_chunks_half % (_NW // 2)
    n_w = n_floor + jnp.where(wl < n_rem, 1, 0)

    def chunk_body(c, _):
        row_off = (wl + c * (_NW // 2)) * _CHUNK
        src_off = half * e_half + row_off
        pltpu.sync_copy(u_hbm.at[pl.ds(src_off, _CHUNK)], u_v)
        pltpu.sync_copy(v_hbm.at[pl.ds(src_off, _CHUNK)], v_v)

        def lane_body(i, _):
            s = pl.ds(i * _LANES, _LANES)
            uu = u_v[s]
            vv = v_v[s]
            iu_v[s] = jnp.minimum(uu, vv)
            iv_v[s] = jnp.maximum(uu, vv)
            return 0

        lax.fori_loop(0, _CHUNK // _LANES, lane_body, 0)

        cps = []
        for j in range(_CHUNK // _IDXG):
            s = pl.ds(j * _IDXG, _IDXG)
            cps.append(pltpu.async_copy(pu_hbm.at[iu_v.at[s]], gu_v.at[s], sem))
            cps.append(pltpu.async_copy(pv_hbm.at[iv_v.at[s]], gv_v.at[s], sem))
        for cp in cps:
            cp.wait()

        lanes_iota = lax.iota(jnp.int32, _LANES)
        zeros = lanes_iota * 0

        def sign_body(i, _):
            s = pl.ds(i * _LANES, _LANES)
            sbit = jnp.where(u_v[s] > v_v[s], 1, 0)
            rows = lanes_iota + i * _LANES
            vals = plsc.load_gather(gu_v, [rows, zeros])
            ival = plsc.bitcast(vals, jnp.int32)
            ival = jnp.bitwise_or(jnp.bitwise_and(ival, -2), sbit)
            plsc.store_scatter(gu_v, [rows, zeros],
                               plsc.bitcast(ival, jnp.float32))
            return 0

        lax.fori_loop(0, _CHUNK // _LANES, sign_body, 0)

        dst_rows = pl.ds(row_off, _CHUNK)

        @pl.when(half == 0)
        def _():
            pltpu.sync_copy(gu_v, gu_hbm.at[dst_rows, pl.ds(0, h)])
            pltpu.sync_copy(gv_v, gv_hbm.at[dst_rows, pl.ds(0, h)])

        @pl.when(half == 1)
        def _():
            pltpu.sync_copy(gu_v, gu_hbm.at[dst_rows, pl.ds(h, h)])
            pltpu.sync_copy(gv_v, gv_hbm.at[dst_rows, pl.ds(h, h)])

        return 0

    lax.fori_loop(0, n_w, chunk_body, 0)


def _mlp_body(gu_ref, gv_ref, w2_ref, b2_ref, w3_ref, b3_ref,
              pt_ref, out_ref):
    h = w2_ref.shape[0]
    hh = pl.program_id(1)
    guv = gu_ref[...]
    gvv = gv_ref[...]
    gu_h = jnp.where(hh == 0, guv[:, 0:h], guv[:, h:2 * h])
    gv_h = jnp.where(hh == 0, gvv[:, 0:h], gvv[:, h:2 * h])
    bit = jnp.bitwise_and(
        lax.bitcast_convert_type(gu_h[:, 0:1], jnp.int32), 1)
    factor = (1 - 2 * bit).astype(jnp.float32)
    h1 = jnp.tanh(gu_h + gv_h)
    h2 = jnp.tanh(
        jnp.dot(h1, w2_ref[...], preferred_element_type=jnp.float32)
        + b2_ref[...])
    y = (jnp.dot(h2, w3_ref[...], preferred_element_type=jnp.float32)
         + b3_ref[...])
    s = (1.5 * factor) * jnp.tanh(y)
    o = s - jnp.dot(s, pt_ref[...], preferred_element_type=jnp.float32)
    out_ref[...] = o


def kernel(x, edges_uv, W1, b1, W2, b2, W3, b3):
    n, d = x.shape
    e = edges_uv.shape[0]
    h = W2.shape[0]
    kk = W3.shape[1]
    k = int(np.sqrt(kk))

    u = edges_uv[:, 0]
    v = edges_uv[:, 1]

    pu, pv = pl.pallas_call(
        _proj_body,
        out_shape=(
            jax.ShapeDtypeStruct((n, h), jnp.float32),
            jax.ShapeDtypeStruct((n, h), jnp.float32),
        ),
    )(x, W1, b1.reshape(1, h))

    mesh = plsc.VectorSubcoreMesh(
        core_axis_name="c", subcore_axis_name="s",
        num_cores=_NC, num_subcores=_NS)
    sc = pl.kernel(
        functools.partial(_sc_gather_body, e // 2),
        out_type=(
            jax.ShapeDtypeStruct((e // 2, 2 * h), jnp.float32),
            jax.ShapeDtypeStruct((e // 2, 2 * h), jnp.float32),
        ),
        mesh=mesh,
        scratch_types=(
            pltpu.VMEM((_CHUNK,), jnp.int32),
            pltpu.VMEM((_CHUNK,), jnp.int32),
            pltpu.VMEM((_CHUNK,), jnp.int32),
            pltpu.VMEM((_CHUNK,), jnp.int32),
            pltpu.VMEM((_CHUNK, h), jnp.float32),
            pltpu.VMEM((_CHUNK, h), jnp.float32),
            pltpu.SemaphoreType.DMA,
        ),
        compiler_params=pltpu.CompilerParams(
            use_tc_tiling_on_sc=False, needs_layout_passes=False),
    )
    gu2, gv2 = sc(u, v, pu, pv)

    ii = np.arange(kk)
    pt_np = np.zeros((kk, kk), dtype=np.float32)
    pt_np[(ii % k) * k + ii // k, ii] = 1.0
    pt = jnp.asarray(pt_np)

    be = 2000
    nb = e // 2 // be
    grid = (nb, 2)
    out = pl.pallas_call(
        _mlp_body,
        grid=grid,
        in_specs=[
            pl.BlockSpec((be, 2 * h), lambda i, hh: (i, 0)),
            pl.BlockSpec((be, 2 * h), lambda i, hh: (i, 0)),
            pl.BlockSpec((h, h), lambda i, hh: (0, 0)),
            pl.BlockSpec((1, h), lambda i, hh: (0, 0)),
            pl.BlockSpec((h, kk), lambda i, hh: (0, 0)),
            pl.BlockSpec((1, kk), lambda i, hh: (0, 0)),
            pl.BlockSpec((kk, kk), lambda i, hh: (0, 0)),
        ],
        out_specs=pl.BlockSpec((be, kk), lambda i, hh: (hh * nb + i, 0)),
        out_shape=jax.ShapeDtypeStruct((e, kk), jnp.float32),
    )(gu2, gv2, W2, b2.reshape(1, h), W3, b3.reshape(1, kk), pt)

    return out.reshape(e, k, k)

# --- scband reference (transcript-rebuilt; emitter-appended) ---
"""Pipeline reference for scband-gauge-field-57561151701018 (READ-ONLY COPY).

The authoritative reference and input builder live on the scoring server;
editing this copy changes nothing except your own understanding.
"""

import jax, jax.numpy as jnp
import numpy as np

N, E, D, H, K = 10000, 320000, 128, 64, 8

def setup_inputs(seed: int = 0) -> dict:
    key = jax.random.key(seed)
    ks = jax.random.split(key, 8)
    x = jax.random.normal(ks[0], (N, D), dtype=jnp.float32)
    edges_uv = jax.random.randint(ks[1], (E, 2), 0, N)
    # NeuralBackend MLP params: Linear(3D->H), Tanh, Linear(H->H), Tanh, Linear(H->K*K) with last layer scaled by 0.01
    W1 = jax.random.normal(ks[2], (3 * D, H), dtype=jnp.float32) * (1.0 / np.sqrt(3 * D))
    b1 = jnp.zeros((H,), dtype=jnp.float32)
    W2 = jax.random.normal(ks[3], (H, H), dtype=jnp.float32) * (1.0 / np.sqrt(H))
    b2 = jnp.zeros((H,), dtype=jnp.float32)
    W3 = jax.random.normal(ks[4], (H, K * K), dtype=jnp.float32) * (0.01 / np.sqrt(H))
    b3 = jnp.zeros((K * K,), dtype=jnp.float32)
    return {"x": x, "edges_uv": edges_uv, "W1": W1, "b1": b1, "W2": W2, "b2": b2, "W3": W3, "b3": b3}

def reference(x, edges_uv, W1, b1, W2, b2, W3, b3):
    u = edges_uv[:, 0]
    v = edges_uv[:, 1]
    swap_mask = u > v
    u_canon = jnp.where(swap_mask, v, u)
    v_canon = jnp.where(swap_mask, u, v)
    xu = x[u_canon]
    xv = x[v_canon]
    # log_map in Euclidean chart: v_uv = x_u - x_v (per docstring MLP(x_u, x_v, x_u - x_v))
    v_uv = xu - xv
    feat = jnp.concatenate([xu, xv, v_uv], axis=-1)
    h = jnp.tanh(feat @ W1 + b1)
    h = jnp.tanh(h @ W2 + b2)
    out = h @ W3 + b3
    out = 3.0 * jnp.tanh(out)
    out = out.reshape(-1, K, K)
    omega_canon = 0.5 * (out - jnp.transpose(out, (0, 2, 1)))
    negation = jnp.where(swap_mask, -1.0, 1.0)[:, None, None]
    return omega_canon * negation

if __name__ == "__main__":
    import jax
    _d = setup_inputs()
    print(jax.jit(kernel)(*tuple(_d.values())))

</pallas_src>

<mosaic_0001>
#map = affine_map<(d0, d1) -> (0)>
#map1 = affine_map<(d0, d1) -> (0, 0)>
module attributes {stable_mosaic.version = 14 : i64} {
  func.func @_sc_gather_body(%arg0: i32, %arg1: i32, %arg2: memref<320000xi32, #tpu.memory_space<hbm>>, %arg3: memref<320000xi32, #tpu.memory_space<hbm>>, %arg4: memref<10000x64xf32, #tpu.memory_space<hbm>>, %arg5: memref<10000x64xf32, #tpu.memory_space<hbm>>, %arg6: memref<160000x128xf32, #tpu.memory_space<hbm>>, %arg7: memref<160000x128xf32, #tpu.memory_space<hbm>>, %arg8: memref<640xi32, #tpu.memory_space<vmem>>, %arg9: memref<640xi32, #tpu.memory_space<vmem>>, %arg10: memref<640xi32, #tpu.memory_space<vmem>>, %arg11: memref<640xi32, #tpu.memory_space<vmem>>, %arg12: memref<640x64xf32, #tpu.memory_space<vmem>>, %arg13: memref<640x64xf32, #tpu.memory_space<vmem>>, %arg14: memref<!tpu.dma_semaphore, #tpu.memory_space<semaphore_mem>>) attributes {dimension_semantics = [#tpu.dimension_semantics<core_parallel>, #tpu.dimension_semantics<subcore_parallel>], iteration_bounds = array<i64: 2, 16>, scalar_prefetch = 0 : i64, scratch_operands = 7 : i64, tpu.core_type = #tpu.core_type<sc_vector_subcore>, window_params = [{transform_indices = #map}, {transform_indices = #map}, {transform_indices = #map1}, {transform_indices = #map1}, {transform_indices = #map1}, {transform_indices = #map1}]} {
    %mul3A = arith.constant 2 : i32
    %mul3A_0 = arith.muli %arg1, %mul3A : i32
    %add3A = arith.addi %mul3A_0, %arg0 : i32
    %jit3A = arith.constant 2 : i32
    %eq3A = arith.constant 0 : i32
    %eq3A_1 = arith.cmpi eq, %jit3A, %eq3A : i32
    %jit3A_2 = arith.constant 1 : i32
    %select_n3A = arith.select %eq3A_1, %jit3A_2, %jit3A : i32
    %rem3A = arith.remsi %add3A, %select_n3A : i32
    %ne3A = arith.constant 0 : i32
    %ne3A_3 = arith.cmpi ne, %rem3A, %ne3A : i32
    %lt3A = arith.constant 0 : i32
    %lt3A_4 = arith.cmpi slt, %rem3A, %lt3A : i32
    %lt3A_5 = arith.constant 0 : i32
    %lt3A_6 = arith.cmpi slt, %select_n3A, %lt3A_5 : i32
    %ne3A_7 = arith.xori %lt3A_4, %lt3A_6 : i1
    %and3A = arith.andi %ne3A_7, %ne3A_3 : i1
    %add3A_8 = arith.addi %rem3A, %select_n3A : i32
    %select_n3A_9 = arith.select %and3A, %add3A_8, %rem3A : i32
    %jit3A_10 = arith.constant 2 : i32
    %div3A = arith.divsi %add3A, %jit3A_10 : i32
    %sign3A = arith.constant 0 : i32
    %sign3A_11 = arith.cmpi sgt, %add3A, %sign3A : i32
    %sign3A_12 = arith.extui %sign3A_11 : i1 to i32
    %sign3A_13 = arith.constant 0 : i32
    %sign3A_14 = arith.cmpi slt, %add3A, %sign3A_13 : i32
    %sign3A_15 = arith.extui %sign3A_14 : i1 to i32
    %sign3A_16 = arith.subi %sign3A_12, %sign3A_15 : i32
    %sign3A_17 = arith.constant 0 : i32
    %sign3A_18 = arith.cmpi sgt, %jit3A_10, %sign3A_17 : i32
    %sign3A_19 = arith.extui %sign3A_18 : i1 to i32
    %sign3A_20 = arith.constant 0 : i32
    %sign3A_21 = arith.cmpi slt, %jit3A_10, %sign3A_20 : i32
    %sign3A_22 = arith.extui %sign3A_21 : i1 to i32
    %sign3A_23 = arith.subi %sign3A_19, %sign3A_22 : i32
    %ne3A_24 = arith.cmpi ne, %sign3A_16, %sign3A_23 : i32
    %rem3A_25 = arith.remsi %add3A, %jit3A_10 : i32
    %ne3A_26 = arith.constant 0 : i32
    %ne3A_27 = arith.cmpi ne, %rem3A_25, %ne3A_26 : i32
    %and3A_28 = arith.andi %ne3A_24, %ne3A_27 : i1
    %sub3A = arith.constant 1 : i32
    %sub3A_29 = arith.subi %div3A, %sub3A : i32
    %select_n3A_30 = arith.select %and3A_28, %sub3A_29, %div3A : i32
    %lt3A_31 = arith.constant 10 : i32
    %lt3A_32 = arith.cmpi slt, %select_n3A_30, %lt3A_31 : i32
    %jit3A_33 = arith.constant 1 : i32
    %jit3A_34 = arith.constant 0 : i32
    %select_n3A_35 = arith.select %lt3A_32, %jit3A_33, %jit3A_34 : i32
    %add3A_36 = arith.constant 15 : i32
    %add3A_37 = arith.addi %add3A_36, %select_n3A_35 : i32
    %while3A = arith.constant 0 : i32
    %while3A_38 = arith.constant 0 : i32
    %while3A_39 = arith.subi %add3A_37, %while3A : i32
    %while3A_40 = arith.addi %while3A, %while3A_39 : i32
    %while3A_41 = arith.constant 1 : i32
    %while3A_42 = arith.divsi %while3A_39, %while3A_41 : i32
    %while3A_43 = arith.muli %while3A_42, %while3A_41 : i32
    %while3A_44 = arith.addi %while3A, %while3A_43 : i32
    %while3A_45 = arith.constant 1 : i32
    %while3A_46 = scf.for %while3A_49 = %while3A to %while3A_44 step %while3A_45 iter_args(%while3A_50 = %while3A_38) -> (i32)  : i32 {
      %mul3A_51 = arith.constant 16 : i32
      %mul3A_52 = arith.muli %while3A_49, %mul3A_51 : i32
      %add3A_53 = arith.addi %select_n3A_30, %mul3A_52 : i32
      %mul3A_54 = arith.constant 640 : i32
      %mul3A_55 = arith.muli %add3A_53, %mul3A_54 : i32
      %mul3A_56 = arith.constant 160000 : i32
      %mul3A_57 = arith.muli %select_n3A_9, %mul3A_56 : i32
      %add3A_58 = arith.addi %mul3A_57, %mul3A_55 : i32
      "tpu.region"() ({
        %run_scoped3A = tpu.sem_alloc : memref<!tpu.dma_semaphore, #tpu.memory_space<semaphore_mem>>
        %dma_start3A_242 = tpu.memref_slice %arg2[%add3A_58] : memref<320000xi32, #tpu.memory_space<hbm>> -> memref<640xi32, #tpu.memory_space<hbm>>
        %dma_start3A_243 = tpu.memref_slice %arg2[%add3A_58] : memref<320000xi32, #tpu.memory_space<hbm>> -> memref<640xi32, #tpu.memory_space<hbm>>
        tpu.enqueue_dma source(%dma_start3A_243 : memref<640xi32, #tpu.memory_space<hbm>>) target(%arg8 : memref<640xi32, #tpu.memory_space<vmem>>) target_semaphore(%run_scoped3A : memref<!tpu.dma_semaphore, #tpu.memory_space<semaphore_mem>>)
        %dma_wait3A_244 = tpu.memref_slice %arg2[%add3A_58] : memref<320000xi32, #tpu.memory_space<hbm>> -> memref<640xi32, #tpu.memory_space<hbm>>
        %dma_wait3A_245 = tpu.memref_slice %arg2[%add3A_58] : memref<320000xi32, #tpu.memory_space<hbm>> -> memref<640xi32, #tpu.memory_space<hbm>>
        tpu.wait_dma2 semaphore(%run_scoped3A : memref<!tpu.dma_semaphore, #tpu.memory_space<semaphore_mem>>) src(%dma_wait3A_245 : memref<640xi32, #tpu.memory_space<hbm>>) dst(%arg8 : memref<640xi32, #tpu.memory_space<vmem>>)
        tpu.yield
      }) : () -> ()
      "tpu.region"() ({
        %run_scoped3A = tpu.sem_alloc : memref<!tpu.dma_semaphore, #tpu.memory_space<semaphore_mem>>
        %dma_start3A_242 = tpu.memref_slice %arg3[%add3A_58] : memref<320000xi32, #tpu.memory_space<hbm>> -> memref<640xi32, #tpu.memory_space<hbm>>
        %dma_start3A_243 = tpu.memref_slice %arg3[%add3A_58] : memref<320000xi32, #tpu.memory_space<hbm>> -> memref<640xi32, #tpu.memory_space<hbm>>
        tpu.enqueue_dma source(%dma_start3A_243 : memref<640xi32, #tpu.memory_space<hbm>>) target(%arg9 : memref<640xi32, #tpu.memory_space<vmem>>) target_semaphore(%run_scoped3A : memref<!tpu.dma_semaphore, #tpu.memory_space<semaphore_mem>>)
        %dma_wait3A_244 = tpu.memref_slice %arg3[%add3A_58] : memref<320000xi32, #tpu.memory_space<hbm>> -> memref<640xi32, #tpu.memory_space<hbm>>
        %dma_wait3A_245 = tpu.memref_slice %arg3[%add3A_58] : memref<320000xi32, #tpu.memory_space<hbm>> -> memref<640xi32, #tpu.memory_space<hbm>>
        tpu.wait_dma2 semaphore(%run_scoped3A : memref<!tpu.dma_semaphore, #tpu.memory_space<semaphore_mem>>) src(%dma_wait3A_245 : memref<640xi32, #tpu.memory_space<hbm>>) dst(%arg9 : memref<640xi32, #tpu.memory_space<vmem>>)
        tpu.yield
      }) : () -> ()
      %scan3A = arith.constant 0 : i32
      %scan3A_59 = arith.constant 0 : i32
      %scan3A_60 = arith.constant 40 : i32
      %scan3A_61 = arith.addi %scan3A_59, %scan3A_60 : i32
      %scan3A_62 = arith.constant 1 : i32
      %scan3A_63 = scf.for %scan3A_242 = %scan3A_59 to %scan3A_61 step %scan3A_62 iter_args(%scan3A_243 = %scan3A) -> (i32)  : i32 {
        %mul3A_244 = arith.constant 16 : i32
        %mul3A_245 = arith.muli %scan3A_242, %mul3A_244 : i32
        %get3A = arith.index_cast %mul3A_245 : i32 to index
        %get3A_246 = tpu.vector_load %arg8[%get3A] {strides = array<i32>} : memref<640xi32, #tpu.memory_space<vmem>>, vector<16xi32>,
        %get3A_247 = arith.index_cast %mul3A_245 : i32 to index
        %get3A_248 = tpu.vector_load %arg9[%get3A_247] {strides = array<i32>} : memref<640xi32, #tpu.memory_space<vmem>>, vector<16xi32>,
        %min3A = arith.minsi %get3A_246, %get3A_248 : vector<16xi32>
        %swap3A = arith.index_cast %mul3A_245 : i32 to index
        %swap3A_249 = tpu.vector_load %arg10[%swap3A] {strides = array<i32>} : memref<640xi32, #tpu.memory_space<vmem>>, vector<16xi32>,
        tpu.vector_store %arg10[%swap3A], %min3A {strides = array<i32>} : memref<640xi32, #tpu.memory_space<vmem>>, vector<16xi32>,
        %max3A = arith.maxsi %get3A_246, %get3A_248 : vector<16xi32>
        %swap3A_250 = arith.index_cast %mul3A_245 : i32 to index
        %swap3A_251 = tpu.vector_load %arg11[%swap3A_250] {strides = array<i32>} : memref<640xi32, #tpu.memory_space<vmem>>, vector<16xi32>,
        tpu.vector_store %arg11[%swap3A_250], %max3A {strides = array<i32>} : memref<640xi32, #tpu.memory_space<vmem>>, vector<16xi32>,
        %scan3A_252 = arith.constant 0 : i32
        scf.yield %scan3A_252 : i32
      }
      %scan3A_64 = arith.constant 40 : i32
      %dma_start3A = arith.constant 0 : i32
      %dma_start3A_65 = arith.constant 0 : i32
      %dma_start3A_66 = tpu.memref_slice %arg12[%dma_start3A, %dma_start3A_65] : memref<640x64xf32, #tpu.memory_space<vmem>> -> memref<128x64xf32, #tpu.memory_space<vmem>>
      %dma_start3A_67 = arith.constant 0 : i32
      %dma_start3A_68 = tpu.memref_slice %arg10[%dma_start3A_67] : memref<640xi32, #tpu.memory_space<vmem>> -> memref<128xi32, #tpu.memory_space<vmem>>
      %dma_start3A_69 = arith.constant 0 : i32
      %dma_start3A_70 = arith.constant 0 : i32
      %dma_start3A_71 = tpu.memref_slice %arg4[%dma_start3A_69, %dma_start3A_70] : memref<10000x64xf32, #tpu.memory_space<hbm>> -> memref<10000x64xf32, #tpu.memory_space<hbm>>
      tpu.enqueue_indirect_dma source(%dma_start3A_71 : memref<10000x64xf32, #tpu.memory_space<hbm>>) target(%dma_start3A_66 : memref<128x64xf32, #tpu.memory_space<vmem>>) offsets(%dma_start3A_68 : memref<128xi32, #tpu.memory_space<vmem>>) semaphore(%arg14 : memref<!tpu.dma_semaphore, #tpu.memory_space<semaphore_mem>>)
      %dma_start3A_72 = arith.constant 0 : i32
      %dma_start3A_73 = arith.constant 0 : i32
      %dma_start3A_74 = tpu.memref_slice %arg13[%dma_start3A_72, %dma_start3A_73] : memref<640x64xf32, #tpu.memory_space<vmem>> -> memref<128x64xf32, #tpu.memory_space<vmem>>
      %dma_start3A_75 = arith.constant 0 : i32
      %dma_start3A_76 = tpu.memref_slice %arg11[%dma_start3A_75] : memref<640xi32, #tpu.memory_space<vmem>> -> memref<128xi32, #tpu.memory_space<vmem>>
      %dma_start3A_77 = arith.constant 0 : i32
      %dma_start3A_78 = arith.constant 0 : i32
      %dma_start3A_79 = tpu.memref_slice %arg5[%dma_start3A_77, %dma_start3A_78] : memref<10000x64xf32, #tpu.memory_space<hbm>> -> memref<10000x64xf32, #tpu.memory_space<hbm>>
      tpu.enqueue_indirect_dma source(%dma_start3A_79 : memref<10000x64xf32, #tpu.memory_space<hbm>>) target(%dma_start3A_74 : memref<128x64xf32, #tpu.memory_space<vmem>>) offsets(%dma_start3A_76 : memref<128xi32, #tpu.memory_space<vmem>>) semaphore(%arg14 : memref<!tpu.dma_semaphore, #tpu.memory_space<semaphore_mem>>)
      %dma_start3A_80 = arith.constant 128 : i32
      %dma_start3A_81 = arith.constant 0 : i32
      %dma_start3A_82 = tpu.memref_slice %arg12[%dma_start3A_80, %dma_start3A_81] : memref<640x64xf32, #tpu.memory_space<vmem>> -> memref<128x64xf32, #tpu.memory_space<vmem>>
      %dma_start3A_83 = arith.constant 128 : i32
      %dma_start3A_84 = tpu.memref_slice %arg10[%dma_start3A_83] : memref<640xi32, #tpu.memory_space<vmem>> -> memref<128xi32, #tpu.memory_space<vmem>>
      %dma_start3A_85 = arith.constant 0 : i32
      %dma_start3A_86 = arith.constant 0 : i32
      %dma_start3A_87 = tpu.memref_slice %arg4[%dma_start3A_85, %dma_start3A_86] : memref<10000x64xf32, #tpu.memory_space<hbm>> -> memref<10000x64xf32, #tpu.memory_space<hbm>>
      tpu.enqueue_indirect_dma source(%dma_start3A_87 : memref<10000x64xf32, #tpu.memory_space<hbm>>) target(%dma_start3A_82 : memref<128x64xf32, #tpu.memory_space<vmem>>) offsets(%dma_start3A_84 : memref<128xi32, #tpu.memory_space<vmem>>) semaphore(%arg14 : memref<!tpu.dma_semaphore, #tpu.memory_space<semaphore_mem>>)
      %dma_start3A_88 = arith.constant 128 : i32
      %dma_start3A_89 = arith.constant 0 : i32
      %dma_start3A_90 = tpu.memref_slice %arg13[%dma_start3A_88, %dma_start3A_89] : memref<640x64xf32, #tpu.memory_space<vmem>> -> memref<128x64xf32, #tpu.memory_space<vmem>>
      %dma_start3A_91 = arith.constant 128 : i32
      %dma_start3A_92 = tpu.memref_slice %arg11[%dma_start3A_91] : memref<640xi32, #tpu.memory_space<vmem>> -> memref<128xi32, #tpu.memory_space<vmem>>
      %dma_start3A_93 = arith.constant 0 : i32
      %dma_start3A_94 = arith.constant 0 : i32
      %dma_start3A_95 = tpu.memref_slice %arg5[%dma_start3A_93, %dma_start3A_94] : memref<10000x64xf32, #tpu.memory_space<hbm>> -> memref<10000x64xf32, #tpu.memory_space<hbm>>
      tpu.enqueue_indirect_dma source(%dma_start3A_95 : memref<10000x64xf32, #tpu.memory_space<hbm>>) target(%dma_start3A_90 : memref<128x64xf32, #tpu.memory_space<vmem>>) offsets(%dma_start3A_92 : memref<128xi32, #tpu.memory_space<vmem>>) semaphore(%arg14 : memref<!tpu.dma_semaphore, #tpu.memory_space<semaphore_mem>>)
      %dma_start3A_96 = arith.constant 256 : i32
      %dma_start3A_97 = arith.constant 0 : i32
      %dma_start3A_98 = tpu.memref_slice %arg12[%dma_start3A_96, %dma_start3A_97] : memref<640x64xf32, #tpu.memory_space<vmem>> -> memref<128x64xf32, #tpu.memory_space<vmem>>
      %dma_start3A_99 = arith.constant 256 : i32
      %dma_start3A_100 = tpu.memref_slice %arg10[%dma_start3A_99] : memref<640xi32, #tpu.memory_space<vmem>> -> memref<128xi32, #tpu.memory_space<vmem>>
      %dma_start3A_101 = arith.constant 0 : i32
      %dma_start3A_102 = arith.constant 0 : i32
      %dma_start3A_103 = tpu.memref_slice %arg4[%dma_start3A_101, %dma_start3A_102] : memref<10000x64xf32, #tpu.memory_space<hbm>> -> memref<10000x64xf32, #tpu.memory_space<hbm>>
      tpu.enqueue_indirect_dma source(%dma_start3A_103 : memref<10000x64xf32, #tpu.memory_space<hbm>>) target(%dma_start3A_98 : memref<128x64xf32, #tpu.memory_space<vmem>>) offsets(%dma_start3A_100 : memref<128xi32, #tpu.memory_space<vmem>>) semaphore(%arg14 : memref<!tpu.dma_semaphore, #tpu.memory_space<semaphore_mem>>)
      %dma_start3A_104 = arith.constant 256 : i32
      %dma_start3A_105 = arith.constant 0 : i32
      %dma_start3A_106 = tpu.memref_slice %arg13[%dma_start3A_104, %dma_start3A_105] : memref<640x64xf32, #tpu.memory_space<vmem>> -> memref<128x64xf32, #tpu.memory_space<vmem>>
      %dma_start3A_107 = arith.constant 256 : i32
      %dma_start3A_108 = tpu.memref_slice %arg11[%dma_start3A_107] : memref<640xi32, #tpu.memory_space<vmem>> -> memref<128xi32, #tpu.memory_space<vmem>>
      %dma_start3A_109 = arith.constant 0 : i32
      %dma_start3A_110 = arith.constant 0 : i32
      %dma_start3A_111 = tpu.memref_slice %arg5[%dma_start3A_109, %dma_start3A_110] : memref<10000x64xf32, #tpu.memory_space<hbm>> -> memref<10000x64xf32, #tpu.memory_space<hbm>>
      tpu.enqueue_indirect_dma source(%dma_start3A_111 : memref<10000x64xf32, #tpu.memory_space<hbm>>) target(%dma_start3A_106 : memref<128x64xf32, #tpu.memory_space<vmem>>) offsets(%dma_start3A_108 : memref<128xi32, #tpu.memory_space<vmem>>) semaphore(%arg14 : memref<!tpu.dma_semaphore, #tpu.memory_space<semaphore_mem>>)
      %dma_start3A_112 = arith.constant 384 : i32
      %dma_start3A_113 = arith.constant 0 : i32
      %dma_start3A_114 = tpu.memref_slice %arg12[%dma_start3A_112, %dma_start3A_113] : memref<640x64xf32, #tpu.memory_space<vmem>> -> memref<128x64xf32, #tpu.memory_space<vmem>>
      %dma_start3A_115 = arith.constant 384 : i32
      %dma_start3A_116 = tpu.memref_slice %arg10[%dma_start3A_115] : memref<640xi32, #tpu.memory_space<vmem>> -> memref<128xi32, #tpu.memory_space<vmem>>
      %dma_start3A_117 = arith.constant 0 : i32
      %dma_start3A_118 = arith.constant 0 : i32
      %dma_start3A_119 = tpu.memref_slice %arg4[%dma_start3A_117, %dma_start3A_118] : memref<10000x64xf32, #tpu.memory_space<hbm>> -> memref<10000x64xf32, #tpu.memory_space<hbm>>
      tpu.enqueue_indirect_dma source(%dma_start3A_119 : memref<10000x64xf32, #tpu.memory_space<hbm>>) target(%dma_start3A_114 : memref<128x64xf32, #tpu.memory_space<vmem>>) offsets(%dma_start3A_116 : memref<128xi32, #tpu.memory_space<vmem>>) semaphore(%arg14 : memref<!tpu.dma_semaphore, #tpu.memory_space<semaphore_mem>>)
      %dma_start3A_120 = arith.constant 384 : i32
      %dma_start3A_121 = arith.constant 0 : i32
      %dma_start3A_122 = tpu.memref_slice %arg13[%dma_start3A_120, %dma_start3A_121] : memref<640x64xf32, #tpu.memory_space<vmem>> -> memref<128x64xf32, #tpu.memory_space<vmem>>
      %dma_start3A_123 = arith.constant 384 : i32
      %dma_start3A_124 = tpu.memref_slice %arg11[%dma_start3A_123] : memref<640xi32, #tpu.memory_space<vmem>> -> memref<128xi32, #tpu.memory_space<vmem>>
      %dma_start3A_125 = arith.constant 0 : i32
      %dma_start3A_126 = arith.constant 0 : i32
      %dma_start3A_127 = tpu.memref_slice %arg5[%dma_start3A_125, %dma_start3A_126] : memref<10000x64xf32, #tpu.memory_space<hbm>> -> memref<10000x64xf32, #tpu.memory_space<hbm>>
      tpu.enqueue_indirect_dma source(%dma_start3A_127 : memref<10000x64xf32, #tpu.memory_space<hbm>>) target(%dma_start3A_122 : memref<128x64xf32, #tpu.memory_space<vmem>>) offsets(%dma_start3A_124 : memref<128xi32, #tpu.memory_space<vmem>>) semaphore(%arg14 : memref<!tpu.dma_semaphore, #tpu.memory_space<semaphore_mem>>)
      %dma_start3A_128 = arith.constant 512 : i32
      %dma_start3A_129 = arith.constant 0 : i32
      %dma_start3A_130 = tpu.memref_slice %arg12[%dma_start3A_128, %dma_start3A_129] : memref<640x64xf32, #tpu.memory_space<vmem>> -> memref<128x64xf32, #tpu.memory_space<vmem>>
      %dma_start3A_131 = arith.constant 512 : i32
      %dma_start3A_132 = tpu.memref_slice %arg10[%dma_start3A_131] : memref<640xi32, #tpu.memory_space<vmem>> -> memref<128xi32, #tpu.memory_space<vmem>>
      %dma_start3A_133 = arith.constant 0 : i32
      %dma_start3A_134 = arith.constant 0 : i32
      %dma_start3A_135 = tpu.memref_slice %arg4[%dma_start3A_133, %dma_start3A_134] : memref<10000x64xf32, #tpu.memory_space<hbm>> -> memref<10000x64xf32, #tpu.memory_space<hbm>>
      tpu.enqueue_indirect_dma source(%dma_start3A_135 : memref<10000x64xf32, #tpu.memory_space<hbm>>) target(%dma_start3A_130 : memref<128x64xf32, #tpu.memory_space<vmem>>) offsets(%dma_start3A_132 : memref<128xi32, #tpu.memory_space<vmem>>) semaphore(%arg14 : memref<!tpu.dma_semaphore, #tpu.memory_space<semaphore_mem>>)
      %dma_start3A_136 = arith.constant 512 : i32
      %dma_start3A_137 = arith.constant 0 : i32
      %dma_start3A_138 = tpu.memref_slice %arg13[%dma_start3A_136, %dma_start3A_137] : memref<640x64xf32, #tpu.memory_space<vmem>> -> memref<128x64xf32, #tpu.memory_space<vmem>>
      %dma_start3A_139 = arith.constant 512 : i32
      %dma_start3A_140 = tpu.memref_slice %arg11[%dma_start3A_139] : memref<640xi32, #tpu.memory_space<vmem>> -> memref<128xi32, #tpu.memory_space<vmem>>
      %dma_start3A_141 = arith.constant 0 : i32
      %dma_start3A_142 = arith.constant 0 : i32
      %dma_start3A_143 = tpu.memref_slice %arg5[%dma_start3A_141, %dma_start3A_142] : memref<10000x64xf32, #tpu.memory_space<hbm>> -> memref<10000x64xf32, #tpu.memory_space<hbm>>
      tpu.enqueue_indirect_dma source(%dma_start3A_143 : memref<10000x64xf32, #tpu.memory_space<hbm>>) target(%dma_start3A_138 : memref<128x64xf32, #tpu.memory_space<vmem>>) offsets(%dma_start3A_140 : memref<128xi32, #tpu.memory_space<vmem>>) semaphore(%arg14 : memref<!tpu.dma_semaphore, #tpu.memory_space<semaphore_mem>>)
      %dma_wait3A = arith.constant 0 : i32
      %dma_wait3A_144 = arith.constant 0 : i32
      %dma_wait3A_145 = tpu.memref_slice %arg12[%dma_wait3A, %dma_wait3A_144] : memref<640x64xf32, #tpu.memory_space<vmem>> -> memref<128x64xf32, #tpu.memory_space<vmem>>
      %dma_wait3A_146 = arith.constant 0 : i32
      %dma_wait3A_147 = tpu.memref_slice %arg10[%dma_wait3A_146] : memref<640xi32, #tpu.memory_space<vmem>> -> memref<128xi32, #tpu.memory_space<vmem>>
      %dma_wait3A_148 = arith.constant 0 : i32
      %dma_wait3A_149 = arith.constant 0 : i32
      %dma_wait3A_150 = tpu.memref_slice %arg4[%dma_wait3A_148, %dma_wait3A_149] : memref<10000x64xf32, #tpu.memory_space<hbm>> -> memref<10000x64xf32, #tpu.memory_space<hbm>>
      tpu.wait_indirect_dma semaphore(%arg14 : memref<!tpu.dma_semaphore, #tpu.memory_space<semaphore_mem>>) src(%dma_wait3A_150 : memref<10000x64xf32, #tpu.memory_space<hbm>>) dst(%dma_wait3A_145 : memref<128x64xf32, #tpu.memory_space<vmem>>)
      %dma_wait3A_151 = arith.constant 0 : i32
      %dma_wait3A_152 = arith.constant 0 : i32
      %dma_wait3A_153 = tpu.memref_slice %arg13[%dma_wait3A_151, %dma_wait3A_152] : memref<640x64xf32, #tpu.memory_space<vmem>> -> memref<128x64xf32, #tpu.memory_space<vmem>>
      %dma_wait3A_154 = arith.constant 0 : i32
      %dma_wait3A_155 = tpu.memref_slice %arg11[%dma_wait3A_154] : memref<640xi32, #tpu.memory_space<vmem>> -> memref<128xi32, #tpu.memory_space<vmem>>
      %dma_wait3A_156 = arith.constant 0 : i32
      %dma_wait3A_157 = arith.constant 0 : i32
      %dma_wait3A_158 = tpu.memref_slice %arg5[%dma_wait3A_156, %dma_wait3A_157] : memref<10000x64xf32, #tpu.memory_space<hbm>> -> memref<10000x64xf32, #tpu.memory_space<hbm>>
      tpu.wait_indirect_dma semaphore(%arg14 : memref<!tpu.dma_semaphore, #tpu.memory_space<semaphore_mem>>) src(%dma_wait3A_158 : memref<10000x64xf32, #tpu.memory_space<hbm>>) dst(%dma_wait3A_153 : memref<128x64xf32, #tpu.memory_space<vmem>>)
      %dma_wait3A_159 = arith.constant 128 : i32
      %dma_wait3A_160 = arith.constant 0 : i32
      %dma_wait3A_161 = tpu.memref_slice %arg12[%dma_wait3A_159, %dma_wait3A_160] : memref<640x64xf32, #tpu.memory_space<vmem>> -> memref<128x64xf32, #tpu.memory_space<vmem>>
      %dma_wait3A_162 = arith.constant 128 : i32
      %dma_wait3A_163 = tpu.memref_slice %arg10[%dma_wait3A_162] : memref<640xi32, #tpu.memory_space<vmem>> -> memref<128xi32, #tpu.memory_space<vmem>>
      %dma_wait3A_164 = arith.constant 0 : i32
      %dma_wait3A_165 = arith.constant 0 : i32
      %dma_wait3A_166 = tpu.memref_slice %arg4[%dma_wait3A_164, %dma_wait3A_165] : memref<10000x64xf32, #tpu.memory_space<hbm>> -> memref<10000x64xf32, #tpu.memory_space<hbm>>
      tpu.wait_indirect_dma semaphore(%arg14 : memref<!tpu.dma_semaphore, #tpu.memory_space<semaphore_mem>>) src(%dma_wait3A_166 : memref<10000x64xf32, #tpu.memory_space<hbm>>) dst(%dma_wait3A_161 : memref<128x64xf32, #tpu.memory_space<vmem>>)
      %dma_wait3A_167 = arith.constant 128 : i32
      %dma_wait3A_168 = arith.constant 0 : i32
      %dma_wait3A_169 = tpu.memref_slice %arg13[%dma_wait3A_167, %dma_wait3A_168] : memref<640x64xf32, #tpu.memory_space<vmem>> -> memref<128x64xf32, #tpu.memory_space<vmem>>
      %dma_wait3A_170 = arith.constant 128 : i32
      %dma_wait3A_171 = tpu.memref_slice %arg11[%dma_wait3A_170] : memref<640xi32, #tpu.memory_space<vmem>> -> memref<128xi32, #tpu.memory_space<vmem>>
      %dma_wait3A_172 = arith.constant 0 : i32
      %dma_wait3A_173 = arith.constant 0 : i32
      %dma_wait3A_174 = tpu.memref_slice %arg5[%dma_wait3A_172, %dma_wait3A_173] : memref<10000x64xf32, #tpu.memory_space<hbm>> -> memref<10000x64xf32, #tpu.memory_space<hbm>>
      tpu.wait_indirect_dma semaphore(%arg14 : memref<!tpu.dma_semaphore, #tpu.memory_space<semaphore_mem>>) src(%dma_wait3A_174 : memref<10000x64xf32, #tpu.memory_space<hbm>>) dst(%dma_wait3A_169 : memref<128x64xf32, #tpu.memory_space<vmem>>)
      %dma_wait3A_175 = arith.constant 256 : i32
      %dma_wait3A_176 = arith.constant 0 : i32
      %dma_wait3A_177 = tpu.memref_slice %arg12[%dma_wait3A_175, %dma_wait3A_176] : memref<640x64xf32, #tpu.memory_space<vmem>> -> memref<128x64xf32, #tpu.memory_space<vmem>>
      %dma_wait3A_178 = arith.constant 256 : i32
      %dma_wait3A_179 = tpu.memref_slice %arg10[%dma_wait3A_178] : memref<640xi32, #tpu.memory_space<vmem>> -> memref<128xi32, #tpu.memory_space<vmem>>
      %dma_wait3A_180 = arith.constant 0 : i32
      %dma_wait3A_181 = arith.constant 0 : i32
      %dma_wait3A_182 = tpu.memref_slice %arg4[%dma_wait3A_180, %dma_wait3A_181] : memref<10000x64xf32, #tpu.memory_space<hbm>> -> memref<10000x64xf32, #tpu.memory_space<hbm>>
      tpu.wait_indirect_dma semaphore(%arg14 : memref<!tpu.dma_semaphore, #tpu.memory_space<semaphore_mem>>) src(%dma_wait3A_182 : memref<10000x64xf32, #tpu.memory_space<hbm>>) dst(%dma_wait3A_177 : memref<128x64xf32, #tpu.memory_space<vmem>>)
      %dma_wait3A_183 = arith.constant 256 : i32
      %dma_wait3A_184 = arith.constant 0 : i32
      %dma_wait3A_185 = tpu.memref_slice %arg13[%dma_wait3A_183, %dma_wait3A_184] : memref<640x64xf32, #tpu.memory_space<vmem>> -> memref<128x64xf32, #tpu.memory_space<vmem>>
      %dma_wait3A_186 = arith.constant 256 : i32
      %dma_wait3A_187 = tpu.memref_slice %arg11[%dma_wait3A_186] : memref<640xi32, #tpu.memory_space<vmem>> -> memref<128xi32, #tpu.memory_space<vmem>>
      %dma_wait3A_188 = arith.constant 0 : i32
      %dma_wait3A_189 = arith.constant 0 : i32
      %dma_wait3A_190 = tpu.memref_slice %arg5[%dma_wait3A_188, %dma_wait3A_189] : memref<10000x64xf32, #tpu.memory_space<hbm>> -> memref<10000x64xf32, #tpu.memory_space<hbm>>
      tpu.wait_indirect_dma semaphore(%arg14 : memref<!tpu.dma_semaphore, #tpu.memory_space<semaphore_mem>>) src(%dma_wait3A_190 : memref<10000x64xf32, #tpu.memory_space<hbm>>) dst(%dma_wait3A_185 : memref<128x64xf32, #tpu.memory_space<vmem>>)
      %dma_wait3A_191 = arith.constant 384 : i32
      %dma_wait3A_192 = arith.constant 0 : i32
      %dma_wait3A_193 = tpu.memref_slice %arg12[%dma_wait3A_191, %dma_wait3A_192] : memref<640x64xf32, #tpu.memory_space<vmem>> -> memref<128x64xf32, #tpu.memory_space<vmem>>
      %dma_wait3A_194 = arith.constant 384 : i32
      %dma_wait3A_195 = tpu.memref_slice %arg10[%dma_wait3A_194] : memref<640xi32, #tpu.memory_space<vmem>> -> memref<128xi32, #tpu.memory_space<vmem>>
      %dma_wait3A_196 = arith.constant 0 : i32
      %dma_wait3A_197 = arith.constant 0 : i32
      %dma_wait3A_198 = tpu.memref_slice %arg4[%dma_wait3A_196, %dma_wait3A_197] : memref<10000x64xf32, #tpu.memory_space<hbm>> -> memref<10000x64xf32, #tpu.memory_space<hbm>>
      tpu.wait_indirect_dma semaphore(%arg14 : memref<!tpu.dma_semaphore, #tpu.memory_space<semaphore_mem>>) src(%dma_wait3A_198 : memref<10000x64xf32, #tpu.memory_space<hbm>>) dst(%dma_wait3A_193 : memref<128x64xf32, #tpu.memory_space<vmem>>)
      %dma_wait3A_199 = arith.constant 384 : i32
      %dma_wait3A_200 = arith.constant 0 : i32
      %dma_wait3A_201 = tpu.memref_slice %arg13[%dma_wait3A_199, %dma_wait3A_200] : memref<640x64xf32, #tpu.memory_space<vmem>> -> memref<128x64xf32, #tpu.memory_space<vmem>>
      %dma_wait3A_202 = arith.constant 384 : i32
      %dma_wait3A_203 = tpu.memref_slice %arg11[%dma_wait3A_202] : memref<640xi32, #tpu.memory_space<vmem>> -> memref<128xi32, #tpu.memory_space<vmem>>
      %dma_wait3A_204 = arith.constant 0 : i32
      %dma_wait3A_205 = arith.constant 0 : i32
      %dma_wait3A_206 = tpu.memref_slice %arg5[%dma_wait3A_204, %dma_wait3A_205] : memref<10000x64xf32, #tpu.memory_space<hbm>> -> memref<10000x64xf32, #tpu.memory_space<hbm>>
      tpu.wait_indirect_dma semaphore(%arg14 : memref<!tpu.dma_semaphore, #tpu.memory_space<semaphore_mem>>) src(%dma_wait3A_206 : memref<10000x64xf32, #tpu.memory_space<hbm>>) dst(%dma_wait3A_201 : memref<128x64xf32, #tpu.memory_space<vmem>>)
      %dma_wait3A_207 = arith.constant 512 : i32
      %dma_wait3A_208 = arith.constant 0 : i32
      %dma_wait3A_209 = tpu.memref_slice %arg12[%dma_wait3A_207, %dma_wait3A_208] : memref<640x64xf32, #tpu.memory_space<vmem>> -> memref<128x64xf32, #tpu.memory_space<vmem>>
      %dma_wait3A_210 = arith.constant 512 : i32
      %dma_wait3A_211 = tpu.memref_slice %arg10[%dma_wait3A_210] : memref<640xi32, #tpu.memory_space<vmem>> -> memref<128xi32, #tpu.memory_space<vmem>>
      %dma_wait3A_212 = arith.constant 0 : i32
      %dma_wait3A_213 = arith.constant 0 : i32
      %dma_wait3A_214 = tpu.memref_slice %arg4[%dma_wait3A_212, %dma_wait3A_213] : memref<10000x64xf32, #tpu.memory_space<hbm>> -> memref<10000x64xf32, #tpu.memory_space<hbm>>
      tpu.wait_indirect_dma semaphore(%arg14 : memref<!tpu.dma_semaphore, #tpu.memory_space<semaphore_mem>>) src(%dma_wait3A_214 : memref<10000x64xf32, #tpu.memory_space<hbm>>) dst(%dma_wait3A_209 : memref<128x64xf32, #tpu.memory_space<vmem>>)
      %dma_wait3A_215 = arith.constant 512 : i32
      %dma_wait3A_216 = arith.constant 0 : i32
      %dma_wait3A_217 = tpu.memref_slice %arg13[%dma_wait3A_215, %dma_wait3A_216] : memref<640x64xf32, #tpu.memory_space<vmem>> -> memref<128x64xf32, #tpu.memory_space<vmem>>
      %dma_wait3A_218 = arith.constant 512 : i32
      %dma_wait3A_219 = tpu.memref_slice %arg11[%dma_wait3A_218] : memref<640xi32, #tpu.memory_space<vmem>> -> memref<128xi32, #tpu.memory_space<vmem>>
      %dma_wait3A_220 = arith.constant 0 : i32
      %dma_wait3A_221 = arith.constant 0 : i32
      %dma_wait3A_222 = tpu.memref_slice %arg5[%dma_wait3A_220, %dma_wait3A_221] : memref<10000x64xf32, #tpu.memory_space<hbm>> -> memref<10000x64xf32, #tpu.memory_space<hbm>>
      tpu.wait_indirect_dma semaphore(%arg14 : memref<!tpu.dma_semaphore, #tpu.memory_space<semaphore_mem>>) src(%dma_wait3A_222 : memref<10000x64xf32, #tpu.memory_space<hbm>>) dst(%dma_wait3A_217 : memref<128x64xf32, #tpu.memory_space<vmem>>)
      %iota3A = tpu.iota {dimensions = array<i32: 0>} : vector<16xi32>
      %mul3A_223 = arith.constant 0 : i32
      %mul3A_224 = vector.broadcast %mul3A_223 : i32 to vector<16xi32>
      %mul3A_225 = arith.muli %iota3A, %mul3A_224 : vector<16xi32>
      %scan3A_226 = arith.constant 0 : i32
      %scan3A_227 = arith.constant 0 : i32
      %scan3A_228 = arith.constant 40 : i32
      %scan3A_229 = arith.addi %scan3A_227, %scan3A_228 : i32
      %scan3A_230 = arith.constant 1 : i32
      %scan3A_231 = scf.for %scan3A_242 = %scan3A_227 to %scan3A_229 step %scan3A_230 iter_args(%scan3A_243 = %scan3A_226) -> (i32)  : i32 {
        %mul3A_244 = arith.constant 16 : i32
        %mul3A_245 = arith.muli %scan3A_242, %mul3A_244 : i32
        %get3A = arith.index_cast %mul3A_245 : i32 to index
        %get3A_246 = tpu.vector_load %arg8[%get3A] {strides = array<i32>} : memref<640xi32, #tpu.memory_space<vmem>>, vector<16xi32>,
        %get3A_247 = arith.index_cast %mul3A_245 : i32 to index
        %get3A_248 = tpu.vector_load %arg9[%get3A_247] {strides = array<i32>} : memref<640xi32, #tpu.memory_space<vmem>>, vector<16xi32>,
        %gt3A = arith.cmpi sgt, %get3A_246, %get3A_248 : vector<16xi32>
        %jit3A_249 = arith.constant 1 : i32
        %jit3A_250 = arith.constant 0 : i32
        %broadcast_in_dim3A = vector.broadcast %jit3A_249 : i32 to vector<16xi32>
        %broadcast_in_dim3A_251 = vector.broadcast %jit3A_250 : i32 to vector<16xi32>
        %select_n3A_252 = arith.select %gt3A, %broadcast_in_dim3A, %broadcast_in_dim3A_251 : vector<16xi1>, vector<16xi32>
        %mul3A_253 = arith.constant 16 : i32
        %mul3A_254 = arith.muli %scan3A_242, %mul3A_253 : i32
        %add3A_255 = vector.broadcast %mul3A_254 : i32 to vector<16xi32>
        %add3A_256 = arith.addi %iota3A, %add3A_255 : vector<16xi32>
        %gather3A = tpu.vector_load_idx %arg12[%add3A_256, %mul3A_225] : memref<640x64xf32, #tpu.memory_space<vmem>>[vector<16xi32>, vector<16xi32>], vector<16xf32>,
        %bitcast3A = vector.bitcast %gather3A : vector<16xf32> to vector<16xi32>
        %and3A_257 = arith.constant -2 : i32
        %and3A_258 = vector.broadcast %and3A_257 : i32 to vector<16xi32>
        %and3A_259 = arith.andi %bitcast3A, %and3A_258 : vector<16xi32>
        %or3A = arith.ori %and3A_259, %select_n3A_252 : vector<16xi32>
        %bitcast3A_260 = vector.bitcast %or3A : vector<16xi32> to vector<16xf32>
        tpu.vector_store_idx %arg12[%add3A_256, %mul3A_225], %bitcast3A_260 : memref<640x64xf32, #tpu.memory_space<vmem>>[vector<16xi32>, vector<16xi32>], vector<16xf32>,
        %scan3A_261 = arith.constant 0 : i32
        scf.yield %scan3A_261 : i32
      }
      %scan3A_232 = arith.constant 40 : i32
      %eq3A_233 = arith.constant 0 : i32
      %eq3A_234 = arith.cmpi eq, %select_n3A_9, %eq3A_233 : i32
      %convert_element_type3A = arith.extui %eq3A_234 : i1 to i32
      %cond3A = arith.constant 0 : i32
      %cond3A_235 = arith.cmpi ne, %convert_element_type3A, %cond3A : i32
      scf.if %cond3A_235 {
        "tpu.region"() ({
          %run_scoped3A = tpu.sem_alloc : memref<!tpu.dma_semaphore, #tpu.memory_space<semaphore_mem>>
          %dma_start3A_242 = arith.constant 0 : i32
          %dma_start3A_243 = tpu.memref_slice %arg6[%mul3A_55, %dma_start3A_242] : memref<160000x128xf32, #tpu.memory_space<hbm>> -> memref<640x64xf32, #tpu.memory_space<hbm>>
          %dma_start3A_244 = arith.constant 0 : i32
          %dma_start3A_245 = tpu.memref_slice %arg6[%mul3A_55, %dma_start3A_244] : memref<160000x128xf32, #tpu.memory_space<hbm>> -> memref<640x64xf32, #tpu.memory_space<hbm>>
          tpu.enqueue_dma source(%arg12 : memref<640x64xf32, #tpu.memory_space<vmem>>) target(%dma_start3A_245 : memref<640x64xf32, #tpu.memory_space<hbm>>) target_semaphore(%run_scoped3A : memref<!tpu.dma_semaphore, #tpu.memory_space<semaphore_mem>>)
          %dma_wait3A_246 = arith.constant 0 : i32
          %dma_wait3A_247 = tpu.memref_slice %arg6[%mul3A_55, %dma_wait3A_246] : memref<160000x128xf32, #tpu.memory_space<hbm>> -> memref<640x64xf32, #tpu.memory_space<hbm>>
          %dma_wait3A_248 = arith.constant 0 : i32
          %dma_wait3A_249 = tpu.memref_slice %arg6[%mul3A_55, %dma_wait3A_248] : memref<160000x128xf32, #tpu.memory_space<hbm>> -> memref<640x64xf32, #tpu.memory_space<hbm>>
          tpu.wait_dma2 semaphore(%run_scoped3A : memref<!tpu.dma_semaphore, #tpu.memory_space<semaphore_mem>>) src(%arg12 : memref<640x64xf32, #tpu.memory_space<vmem>>) dst(%dma_wait3A_249 : memref<640x64xf32, #tpu.memory_space<hbm>>)
          tpu.yield
        }) : () -> ()
        "tpu.region"() ({
          %run_scoped3A = tpu.sem_alloc : memref<!tpu.dma_semaphore, #tpu.memory_space<semaphore_mem>>
          %dma_start3A_242 = arith.constant 0 : i32
          %dma_start3A_243 = tpu.memref_slice %arg7[%mul3A_55, %dma_start3A_242] : memref<160000x128xf32, #tpu.memory_space<hbm>> -> memref<640x64xf32, #tpu.memory_space<hbm>>
          %dma_start3A_244 = arith.constant 0 : i32
          %dma_start3A_245 = tpu.memref_slice %arg7[%mul3A_55, %dma_start3A_244] : memref<160000x128xf32, #tpu.memory_space<hbm>> -> memref<640x64xf32, #tpu.memory_space<hbm>>
          tpu.enqueue_dma source(%arg13 : memref<640x64xf32, #tpu.memory_space<vmem>>) target(%dma_start3A_245 : memref<640x64xf32, #tpu.memory_space<hbm>>) target_semaphore(%run_scoped3A : memref<!tpu.dma_semaphore, #tpu.memory_space<semaphore_mem>>)
          %dma_wait3A_246 = arith.constant 0 : i32
          %dma_wait3A_247 = tpu.memref_slice %arg7[%mul3A_55, %dma_wait3A_246] : memref<160000x128xf32, #tpu.memory_space<hbm>> -> memref<640x64xf32, #tpu.memory_space<hbm>>
          %dma_wait3A_248 = arith.constant 0 : i32
          %dma_wait3A_249 = tpu.memref_slice %arg7[%mul3A_55, %dma_wait3A_248] : memref<160000x128xf32, #tpu.memory_space<hbm>> -> memref<640x64xf32, #tpu.memory_space<hbm>>
          tpu.wait_dma2 semaphore(%run_scoped3A : memref<!tpu.dma_semaphore, #tpu.memory_space<semaphore_mem>>) src(%arg13 : memref<640x64xf32, #tpu.memory_space<vmem>>) dst(%dma_wait3A_249 : memref<640x64xf32, #tpu.memory_space<hbm>>)
          tpu.yield
        }) : () -> ()
      } else {
      }
      %eq3A_236 = arith.constant 1 : i32
      %eq3A_237 = arith.cmpi eq, %select_n3A_9, %eq3A_236 : i32
      %convert_element_type3A_238 = arith.extui %eq3A_237 : i1 to i32
      %cond3A_239 = arith.constant 0 : i32
      %cond3A_240 = arith.cmpi ne, %convert_element_type3A_238, %cond3A_239 : i32
      scf.if %cond3A_240 {
        "tpu.region"() ({
          %run_scoped3A = tpu.sem_alloc : memref<!tpu.dma_semaphore, #tpu.memory_space<semaphore_mem>>
          %dma_start3A_242 = arith.constant 64 : i32
          %dma_start3A_243 = tpu.memref_slice %arg6[%mul3A_55, %dma_start3A_242] : memref<160000x128xf32, #tpu.memory_space<hbm>> -> memref<640x64xf32, #tpu.memory_space<hbm>>
          %dma_start3A_244 = arith.constant 64 : i32
          %dma_start3A_245 = tpu.memref_slice %arg6[%mul3A_55, %dma_start3A_244] : memref<160000x128xf32, #tpu.memory_space<hbm>> -> memref<640x64xf32, #tpu.memory_space<hbm>>
          tpu.enqueue_dma source(%arg12 : memref<640x64xf32, #tpu.memory_space<vmem>>) target(%dma_start3A_245 : memref<640x64xf32, #tpu.memory_space<hbm>>) target_semaphore(%run_scoped3A : memref<!tpu.dma_semaphore, #tpu.memory_space<semaphore_mem>>)
          %dma_wait3A_246 = arith.constant 64 : i32
          %dma_wait3A_247 = tpu.memref_slice %arg6[%mul3A_55, %dma_wait3A_246] : memref<160000x128xf32, #tpu.memory_space<hbm>> -> memref<640x64xf32, #tpu.memory_space<hbm>>
          %dma_wait3A_248 = arith.constant 64 : i32
          %dma_wait3A_249 = tpu.memref_slice %arg6[%mul3A_55, %dma_wait3A_248] : memref<160000x128xf32, #tpu.memory_space<hbm>> -> memref<640x64xf32, #tpu.memory_space<hbm>>
          tpu.wait_dma2 semaphore(%run_scoped3A : memref<!tpu.dma_semaphore, #tpu.memory_space<semaphore_mem>>) src(%arg12 : memref<640x64xf32, #tpu.memory_space<vmem>>) dst(%dma_wait3A_249 : memref<640x64xf32, #tpu.memory_space<hbm>>)
          tpu.yield
        }) : () -> ()
        "tpu.region"() ({
          %run_scoped3A = tpu.sem_alloc : memref<!tpu.dma_semaphore, #tpu.memory_space<semaphore_mem>>
          %dma_start3A_242 = arith.constant 64 : i32
          %dma_start3A_243 = tpu.memref_slice %arg7[%mul3A_55, %dma_start3A_242] : memref<160000x128xf32, #tpu.memory_space<hbm>> -> memref<640x64xf32, #tpu.memory_space<hbm>>
          %dma_start3A_244 = arith.constant 64 : i32
          %dma_start3A_245 = tpu.memref_slice %arg7[%mul3A_55, %dma_start3A_244] : memref<160000x128xf32, #tpu.memory_space<hbm>> -> memref<640x64xf32, #tpu.memory_space<hbm>>
          tpu.enqueue_dma source(%arg13 : memref<640x64xf32, #tpu.memory_space<vmem>>) target(%dma_start3A_245 : memref<640x64xf32, #tpu.memory_space<hbm>>) target_semaphore(%run_scoped3A : memref<!tpu.dma_semaphore, #tpu.memory_space<semaphore_mem>>)
          %dma_wait3A_246 = arith.constant 64 : i32
          %dma_wait3A_247 = tpu.memref_slice %arg7[%mul3A_55, %dma_wait3A_246] : memref<160000x128xf32, #tpu.memory_space<hbm>> -> memref<640x64xf32, #tpu.memory_space<hbm>>
          %dma_wait3A_248 = arith.constant 64 : i32
          %dma_wait3A_249 = tpu.memref_slice %arg7[%mul3A_55, %dma_wait3A_248] : memref<160000x128xf32, #tpu.memory_space<hbm>> -> memref<640x64xf32, #tpu.memory_space<hbm>>
          tpu.wait_dma2 semaphore(%run_scoped3A : memref<!tpu.dma_semaphore, #tpu.memory_space<semaphore_mem>>) src(%arg13 : memref<640x64xf32, #tpu.memory_space<vmem>>) dst(%dma_wait3A_249 : memref<640x64xf32, #tpu.memory_space<hbm>>)
          tpu.yield
        }) : () -> ()
      } else {
      }
      %while3A_241 = arith.constant 0 : i32
      scf.yield %while3A_241 : i32
    }
    %while3A_47 = arith.constant 1 : i32
    %while3A_48 = scf.for %while3A_49 = %while3A_44 to %while3A_40 step %while3A_47 iter_args(%while3A_50 = %while3A_46) -> (i32)  : i32 {
      %mul3A_51 = arith.constant 16 : i32
      %mul3A_52 = arith.muli %while3A_49, %mul3A_51 : i32
      %add3A_53 = arith.addi %select_n3A_30, %mul3A_52 : i32
      %mul3A_54 = arith.constant 640 : i32
      %mul3A_55 = arith.muli %add3A_53, %mul3A_54 : i32
      %mul3A_56 = arith.constant 160000 : i32
      %mul3A_57 = arith.muli %select_n3A_9, %mul3A_56 : i32
      %add3A_58 = arith.addi %mul3A_57, %mul3A_55 : i32
      "tpu.region"() ({
        %run_scoped3A = tpu.sem_alloc : memref<!tpu.dma_semaphore, #tpu.memory_space<semaphore_mem>>
        %dma_start3A_242 = tpu.memref_slice %arg2[%add3A_58] : memref<320000xi32, #tpu.memory_space<hbm>> -> memref<640xi32, #tpu.memory_space<hbm>>
        %dma_start3A_243 = tpu.memref_slice %arg2[%add3A_58] : memref<320000xi32, #tpu.memory_space<hbm>> -> memref<640xi32, #tpu.memory_space<hbm>>
        tpu.enqueue_dma source(%dma_start3A_243 : memref<640xi32, #tpu.memory_space<hbm>>) target(%arg8 : memref<640xi32, #tpu.memory_space<vmem>>) target_semaphore(%run_scoped3A : memref<!tpu.dma_semaphore, #tpu.memory_space<semaphore_mem>>)
        %dma_wait3A_244 = tpu.memref_slice %arg2[%add3A_58] : memref<320000xi32, #tpu.memory_space<hbm>> -> memref<640xi32, #tpu.memory_space<hbm>>
        %dma_wait3A_245 = tpu.memref_slice %arg2[%add3A_58] : memref<320000xi32, #tpu.memory_space<hbm>> -> memref<640xi32, #tpu.memory_space<hbm>>
        tpu.wait_dma2 semaphore(%run_scoped3A : memref<!tpu.dma_semaphore, #tpu.memory_space<semaphore_mem>>) src(%dma_wait3A_245 : memref<640xi32, #tpu.memory_space<hbm>>) dst(%arg8 : memref<640xi32, #tpu.memory_space<vmem>>)
        tpu.yield
      }) : () -> ()
      "tpu.region"() ({
        %run_scoped3A = tpu.sem_alloc : memref<!tpu.dma_semaphore, #tpu.memory_space<semaphore_mem>>
        %dma_start3A_242 = tpu.memref_slice %arg3[%add3A_58] : memref<320000xi32, #tpu.memory_space<hbm>> -> memref<640xi32, #tpu.memory_space<hbm>>
        %dma_start3A_243 = tpu.memref_slice %arg3[%add3A_58] : memref<320000xi32, #tpu.memory_space<hbm>> -> memref<640xi32, #tpu.memory_space<hbm>>
        tpu.enqueue_dma source(%dma_start3A_243 : memref<640xi32, #tpu.memory_space<hbm>>) target(%arg9 : memref<640xi32, #tpu.memory_space<vmem>>) target_semaphore(%run_scoped3A : memref<!tpu.dma_semaphore, #tpu.memory_space<semaphore_mem>>)
        %dma_wait3A_244 = tpu.memref_slice %arg3[%add3A_58] : memref<320000xi32, #tpu.memory_space<hbm>> -> memref<640xi32, #tpu.memory_space<hbm>>
        %dma_wait3A_245 = tpu.memref_slice %arg3[%add3A_58] : memref<320000xi32, #tpu.memory_space<hbm>> -> memref<640xi32, #tpu.memory_space<hbm>>
        tpu.wait_dma2 semaphore(%run_scoped3A : memref<!tpu.dma_semaphore, #tpu.memory_space<semaphore_mem>>) src(%dma_wait3A_245 : memref<640xi32, #tpu.memory_space<hbm>>) dst(%arg9 : memref<640xi32, #tpu.memory_space<vmem>>)
        tpu.yield
      }) : () -> ()
      %scan3A = arith.constant 0 : i32
      %scan3A_59 = arith.constant 0 : i32
      %scan3A_60 = arith.constant 40 : i32
      %scan3A_61 = arith.addi %scan3A_59, %scan3A_60 : i32
      %scan3A_62 = arith.constant 1 : i32
      %scan3A_63 = scf.for %scan3A_242 = %scan3A_59 to %scan3A_61 step %scan3A_62 iter_args(%scan3A_243 = %scan3A) -> (i32)  : i32 {
        %mul3A_244 = arith.constant 16 : i32
        %mul3A_245 = arith.muli %scan3A_242, %mul3A_244 : i32
        %get3A = arith.index_cast %mul3A_245 : i32 to index
        %get3A_246 = tpu.vector_load %arg8[%get3A] {strides = array<i32>} : memref<640xi32, #tpu.memory_space<vmem>>, vector<16xi32>,
        %get3A_247 = arith.index_cast %mul3A_245 : i32 to index
        %get3A_248 = tpu.vector_load %arg9[%get3A_247] {strides = array<i32>} : memref<640xi32, #tpu.memory_space<vmem>>, vector<16xi32>,
        %min3A = arith.minsi %get3A_246, %get3A_248 : vector<16xi32>
        %swap3A = arith.index_cast %mul3A_245 : i32 to index
        %swap3A_249 = tpu.vector_load %arg10[%swap3A] {strides = array<i32>} : memref<640xi32, #tpu.memory_space<vmem>>, vector<16xi32>,
        tpu.vector_store %arg10[%swap3A], %min3A {strides = array<i32>} : memref<640xi32, #tpu.memory_space<vmem>>, vector<16xi32>,
        %max3A = arith.maxsi %get3A_246, %get3A_248 : vector<16xi32>
        %swap3A_250 = arith.index_cast %mul3A_245 : i32 to index
        %swap3A_251 = tpu.vector_load %arg11[%swap3A_250] {strides = array<i32>} : memref<640xi32, #tpu.memory_space<vmem>>, vector<16xi32>,
        tpu.vector_store %arg11[%swap3A_250], %max3A {strides = array<i32>} : memref<640xi32, #tpu.memory_space<vmem>>, vector<16xi32>,
        %scan3A_252 = arith.constant 0 : i32
        scf.yield %scan3A_252 : i32
      }
      %scan3A_64 = arith.constant 40 : i32
      %dma_start3A = arith.constant 0 : i32
      %dma_start3A_65 = arith.constant 0 : i32
      %dma_start3A_66 = tpu.memref_slice %arg12[%dma_start3A, %dma_start3A_65] : memref<640x64xf32, #tpu.memory_space<vmem>> -> memref<128x64xf32, #tpu.memory_space<vmem>>
      %dma_start3A_67 = arith.constant 0 : i32
      %dma_start3A_68 = tpu.memref_slice %arg10[%dma_start3A_67] : memref<640xi32, #tpu.memory_space<vmem>> -> memref<128xi32, #tpu.memory_space<vmem>>
      %dma_start3A_69 = arith.constant 0 : i32
      %dma_start3A_70 = arith.constant 0 : i32
      %dma_start3A_71 = tpu.memref_slice %arg4[%dma_start3A_69, %dma_start3A_70] : memref<10000x64xf32, #tpu.memory_space<hbm>> -> memref<10000x64xf32, #tpu.memory_space<hbm>>
      tpu.enqueue_indirect_dma source(%dma_start3A_71 : memref<10000x64xf32, #tpu.memory_space<hbm>>) target(%dma_start3A_66 : memref<128x64xf32, #tpu.memory_space<vmem>>) offsets(%dma_start3A_68 : memref<128xi32, #tpu.memory_space<vmem>>) semaphore(%arg14 : memref<!tpu.dma_semaphore, #tpu.memory_space<semaphore_mem>>)
      %dma_start3A_72 = arith.constant 0 : i32
      %dma_start3A_73 = arith.constant 0 : i32
      %dma_start3A_74 = tpu.memref_slice %arg13[%dma_start3A_72, %dma_start3A_73] : memref<640x64xf32, #tpu.memory_space<vmem>> -> memref<128x64xf32, #tpu.memory_space<vmem>>
      %dma_start3A_75 = arith.constant 0 : i32
      %dma_start3A_76 = tpu.memref_slice %arg11[%dma_start3A_75] : memref<640xi32, #tpu.memory_space<vmem>> -> memref<128xi32, #tpu.memory_space<vmem>>
      %dma_start3A_77 = arith.constant 0 : i32
      %dma_start3A_78 = arith.constant 0 : i32
      %dma_start3A_79 = tpu.memref_slice %arg5[%dma_start3A_77, %dma_start3A_78] : memref<10000x64xf32, #tpu.memory_space<hbm>> -> memref<10000x64xf32, #tpu.memory_space<hbm>>
      tpu.enqueue_indirect_dma source(%dma_start3A_79 : memref<10000x64xf32, #tpu.memory_space<hbm>>) target(%dma_start3A_74 : memref<128x64xf32, #tpu.memory_space<vmem>>) offsets(%dma_start3A_76 : memref<128xi32, #tpu.memory_space<vmem>>) semaphore(%arg14 : memref<!tpu.dma_semaphore, #tpu.memory_space<semaphore_mem>>)
      %dma_start3A_80 = arith.constant 128 : i32
      %dma_start3A_81 = arith.constant 0 : i32
      %dma_start3A_82 = tpu.memref_slice %arg12[%dma_start3A_80, %dma_start3A_81] : memref<640x64xf32, #tpu.memory_space<vmem>> -> memref<128x64xf32, #tpu.memory_space<vmem>>
      %dma_start3A_83 = arith.constant 128 : i32
      %dma_start3A_84 = tpu.memref_slice %arg10[%dma_start3A_83] : memref<640xi32, #tpu.memory_space<vmem>> -> memref<128xi32, #tpu.memory_space<vmem>>
      %dma_start3A_85 = arith.constant 0 : i32
      %dma_start3A_86 = arith.constant 0 : i32
      %dma_start3A_87 = tpu.memref_slice %arg4[%dma_start3A_85, %dma_start3A_86] : memref<10000x64xf32, #tpu.memory_space<hbm>> -> memref<10000x64xf32, #tpu.memory_space<hbm>>
      tpu.enqueue_indirect_dma source(%dma_start3A_87 : memref<10000x64xf32, #tpu.memory_space<hbm>>) target(%dma_start3A_82 : memref<128x64xf32, #tpu.memory_space<vmem>>) offsets(%dma_start3A_84 : memref<128xi32, #tpu.memory_space<vmem>>) semaphore(%arg14 : memref<!tpu.dma_semaphore, #tpu.memory_space<semaphore_mem>>)
      %dma_start3A_88 = arith.constant 128 : i32
      %dma_start3A_89 = arith.constant 0 : i32
      %dma_start3A_90 = tpu.memref_slice %arg13[%dma_start3A_88, %dma_start3A_89] : memref<640x64xf32, #tpu.memory_space<vmem>> -> memref<128x64xf32, #tpu.memory_space<vmem>>
      %dma_start3A_91 = arith.constant 128 : i32
      %dma_start3A_92 = tpu.memref_slice %arg11[%dma_start3A_91] : memref<640xi32, #tpu.memory_space<vmem>> -> memref<128xi32, #tpu.memory_space<vmem>>
      %dma_start3A_93 = arith.constant 0 : i32
      %dma_start3A_94 = arith.constant 0 : i32
      %dma_start3A_95 = tpu.memref_slice %arg5[%dma_start3A_93, %dma_start3A_94] : memref<10000x64xf32, #tpu.memory_space<hbm>> -> memref<10000x64xf32, #tpu.memory_space<hbm>>
      tpu.enqueue_indirect_dma source(%dma_start3A_95 : memref<10000x64xf32, #tpu.memory_space<hbm>>) target(%dma_start3A_90 : memref<128x64xf32, #tpu.memory_space<vmem>>) offsets(%dma_start3A_92 : memref<128xi32, #tpu.memory_space<vmem>>) semaphore(%arg14 : memref<!tpu.dma_semaphore, #tpu.memory_space<semaphore_mem>>)
      %dma_start3A_96 = arith.constant 256 : i32
      %dma_start3A_97 = arith.constant 0 : i32
      %dma_start3A_98 = tpu.memref_slice %arg12[%dma_start3A_96, %dma_start3A_97] : memref<640x64xf32, #tpu.memory_space<vmem>> -> memref<128x64xf32, #tpu.memory_space<vmem>>
      %dma_start3A_99 = arith.constant 256 : i32
      %dma_start3A_100 = tpu.memref_slice %arg10[%dma_start3A_99] : memref<640xi32, #tpu.memory_space<vmem>> -> memref<128xi32, #tpu.memory_space<vmem>>
      %dma_start3A_101 = arith.constant 0 : i32
      %dma_start3A_102 = arith.constant 0 : i32
      %dma_start3A_103 = tpu.memref_slice %arg4[%dma_start3A_101, %dma_start3A_102] : memref<10000x64xf32, #tpu.memory_space<hbm>> -> memref<10000x64xf32, #tpu.memory_space<hbm>>
      tpu.enqueue_indirect_dma source(%dma_start3A_103 : memref<10000x64xf32, #tpu.memory_space<hbm>>) target(%dma_start3A_98 : memref<128x64xf32, #tpu.memory_space<vmem>>) offsets(%dma_start3A_100 : memref<128xi32, #tpu.memory_space<vmem>>) semaphore(%arg14 : memref<!tpu.dma_semaphore, #tpu.memory_space<semaphore_mem>>)
      %dma_start3A_104 = arith.constant 256 : i32
      %dma_start3A_105 = arith.constant 0 : i32
      %dma_start3A_106 = tpu.memref_slice %arg13[%dma_start3A_104, %dma_start3A_105] : memref<640x64xf32, #tpu.memory_space<vmem>> -> memref<128x64xf32, #tpu.memory_space<vmem>>
      %dma_start3A_107 = arith.constant 256 : i32
      %dma_start3A_108 = tpu.memref_slice %arg11[%dma_start3A_107] : memref<640xi32, #tpu.memory_space<vmem>> -> memref<128xi32, #tpu.memory_space<vmem>>
      %dma_start3A_109 = arith.constant 0 : i32
      %dma_start3A_110 = arith.constant 0 : i32
      %dma_start3A_111 = tpu.memref_slice %arg5[%dma_start3A_109, %dma_start3A_110] : memref<10000x64xf32, #tpu.memory_space<hbm>> -> memref<10000x64xf32, #tpu.memory_space<hbm>>
      tpu.enqueue_indirect_dma source(%dma_start3A_111 : memref<10000x64xf32, #tpu.memory_space<hbm>>) target(%dma_start3A_106 : memref<128x64xf32, #tpu.memory_space<vmem>>) offsets(%dma_start3A_108 : memref<128xi32, #tpu.memory_space<vmem>>) semaphore(%arg14 : memref<!tpu.dma_semaphore, #tpu.memory_space<semaphore_mem>>)
      %dma_start3A_112 = arith.constant 384 : i32
      %dma_start3A_113 = arith.constant 0 : i32
      %dma_start3A_114 = tpu.memref_slice %arg12[%dma_start3A_112, %dma_start3A_113] : memref<640x64xf32, #tpu.memory_space<vmem>> -> memref<128x64xf32, #tpu.memory_space<vmem>>
      %dma_start3A_115 = arith.constant 384 : i32
      %dma_start3A_116 = tpu.memref_slice %arg10[%dma_start3A_115] : memref<640xi32, #tpu.memory_space<vmem>> -> memref<128xi32, #tpu.memory_space<vmem>>
      %dma_start3A_117 = arith.constant 0 : i32
      %dma_start3A_118 = arith.constant 0 : i32
      %dma_start3A_119 = tpu.memref_slice %arg4[%dma_start3A_117, %dma_start3A_118] : memref<10000x64xf32, #tpu.memory_space<hbm>> -> memref<10000x64xf32, #tpu.memory_space<hbm>>
      tpu.enqueue_indirect_dma source(%dma_start3A_119 : memref<10000x64xf32, #tpu.memory_space<hbm>>) target(%dma_start3A_114 : memref<128x64xf32, #tpu.memory_space<vmem>>) offsets(%dma_start3A_116 : memref<128xi32, #tpu.memory_space<vmem>>) semaphore(%arg14 : memref<!tpu.dma_semaphore, #tpu.memory_space<semaphore_mem>>)
      %dma_start3A_120 = arith.constant 384 : i32
      %dma_start3A_121 = arith.constant 0 : i32
      %dma_start3A_122 = tpu.memref_slice %arg13[%dma_start3A_120, %dma_start3A_121] : memref<640x64xf32, #tpu.memory_space<vmem>> -> memref<128x64xf32, #tpu.memory_space<vmem>>
      %dma_start3A_123 = arith.constant 384 : i32
      %dma_start3A_124 = tpu.memref_slice %arg11[%dma_start3A_123] : memref<640xi32, #tpu.memory_space<vmem>> -> memref<128xi32, #tpu.memory_space<vmem>>
      %dma_start3A_125 = arith.constant 0 : i32
      %dma_start3A_126 = arith.constant 0 : i32
      %dma_start3A_127 = tpu.memref_slice %arg5[%dma_start3A_125, %dma_start3A_126] : memref<10000x64xf32, #tpu.memory_space<hbm>> -> memref<10000x64xf32, #tpu.memory_space<hbm>>
      tpu.enqueue_indirect_dma source(%dma_start3A_127 : memref<10000x64xf32, #tpu.memory_space<hbm>>) target(%dma_start3A_122 : memref<128x64xf32, #tpu.memory_space<vmem>>) offsets(%dma_start3A_124 : memref<128xi32, #tpu.memory_space<vmem>>) semaphore(%arg14 : memref<!tpu.dma_semaphore, #tpu.memory_space<semaphore_mem>>)
      %dma_start3A_128 = arith.constant 512 : i32
      %dma_start3A_129 = arith.constant 0 : i32
      %dma_start3A_130 = tpu.memref_slice %arg12[%dma_start3A_128, %dma_start3A_129] : memref<640x64xf32, #tpu.memory_space<vmem>> -> memref<128x64xf32, #tpu.memory_space<vmem>>
      %dma_start3A_131 = arith.constant 512 : i32
      %dma_start3A_132 = tpu.memref_slice %arg10[%dma_start3A_131] : memref<640xi32, #tpu.memory_space<vmem>> -> memref<128xi32, #tpu.memory_space<vmem>>
      %dma_start3A_133 = arith.constant 0 : i32
      %dma_start3A_134 = arith.constant 0 : i32
      %dma_start3A_135 = tpu.memref_slice %arg4[%dma_start3A_133, %dma_start3A_134] : memref<10000x64xf32, #tpu.memory_space<hbm>> -> memref<10000x64xf32, #tpu.memory_space<hbm>>
      tpu.enqueue_indirect_dma source(%dma_start3A_135 : memref<10000x64xf32, #tpu.memory_space<hbm>>) target(%dma_start3A_130 : memref<128x64xf32, #tpu.memory_space<vmem>>) offsets(%dma_start3A_132 : memref<128xi32, #tpu.memory_space<vmem>>) semaphore(%arg14 : memref<!tpu.dma_semaphore, #tpu.memory_space<semaphore_mem>>)
      %dma_start3A_136 = arith.constant 512 : i32
      %dma_start3A_137 = arith.constant 0 : i32
      %dma_start3A_138 = tpu.memref_slice %arg13[%dma_start3A_136, %dma_start3A_137] : memref<640x64xf32, #tpu.memory_space<vmem>> -> memref<128x64xf32, #tpu.memory_space<vmem>>
      %dma_start3A_139 = arith.constant 512 : i32
      %dma_start3A_140 = tpu.memref_slice %arg11[%dma_start3A_139] : memref<640xi32, #tpu.memory_space<vmem>> -> memref<128xi32, #tpu.memory_space<vmem>>
      %dma_start3A_141 = arith.constant 0 : i32
      %dma_start3A_142 = arith.constant 0 : i32
      %dma_start3A_143 = tpu.memref_slice %arg5[%dma_start3A_141, %dma_start3A_142] : memref<10000x64xf32, #tpu.memory_space<hbm>> -> memref<10000x64xf32, #tpu.memory_space<hbm>>
      tpu.enqueue_indirect_dma source(%dma_start3A_143 : memref<10000x64xf32, #tpu.memory_space<hbm>>) target(%dma_start3A_138 : memref<128x64xf32, #tpu.memory_space<vmem>>) offsets(%dma_start3A_140 : memref<128xi32, #tpu.memory_space<vmem>>) semaphore(%arg14 : memref<!tpu.dma_semaphore, #tpu.memory_space<semaphore_mem>>)
      %dma_wait3A = arith.constant 0 : i32
      %dma_wait3A_144 = arith.constant 0 : i32
      %dma_wait3A_145 = tpu.memref_slice %arg12[%dma_wait3A, %dma_wait3A_144] : memref<640x64xf32, #tpu.memory_space<vmem>> -> memref<128x64xf32, #tpu.memory_space<vmem>>
      %dma_wait3A_146 = arith.constant 0 : i32
      %dma_wait3A_147 = tpu.memref_slice %arg10[%dma_wait3A_146] : memref<640xi32, #tpu.memory_space<vmem>> -> memref<128xi32, #tpu.memory_space<vmem>>
      %dma_wait3A_148 = arith.constant 0 : i32
      %dma_wait3A_149 = arith.constant 0 : i32
      %dma_wait3A_150 = tpu.memref_slice %arg4[%dma_wait3A_148, %dma_wait3A_149] : memref<10000x64xf32, #tpu.memory_space<hbm>> -> memref<10000x64xf32, #tpu.memory_space<hbm>>
      tpu.wait_indirect_dma semaphore(%arg14 : memref<!tpu.dma_semaphore, #tpu.memory_space<semaphore_mem>>) src(%dma_wait3A_150 : memref<10000x64xf32, #tpu.memory_space<hbm>>) dst(%dma_wait3A_145 : memref<128x64xf32, #tpu.memory_space<vmem>>)
      %dma_wait3A_151 = arith.constant 0 : i32
      %dma_wait3A_152 = arith.constant 0 : i32
      %dma_wait3A_153 = tpu.memref_slice %arg13[%dma_wait3A_151, %dma_wait3A_152] : memref<640x64xf32, #tpu.memory_space<vmem>> -> memref<128x64xf32, #tpu.memory_space<vmem>>
      %dma_wait3A_154 = arith.constant 0 : i32
      %dma_wait3A_155 = tpu.memref_slice %arg11[%dma_wait3A_154] : memref<640xi32, #tpu.memory_space<vmem>> -> memref<128xi32, #tpu.memory_space<vmem>>
      %dma_wait3A_156 = arith.constant 0 : i32
      %dma_wait3A_157 = arith.constant 0 : i32
      %dma_wait3A_158 = tpu.memref_slice %arg5[%dma_wait3A_156, %dma_wait3A_157] : memref<10000x64xf32, #tpu.memory_space<hbm>> -> memref<10000x64xf32, #tpu.memory_space<hbm>>
      tpu.wait_indirect_dma semaphore(%arg14 : memref<!tpu.dma_semaphore, #tpu.memory_space<semaphore_mem>>) src(%dma_wait3A_158 : memref<10000x64xf32, #tpu.memory_space<hbm>>) dst(%dma_wait3A_153 : memref<128x64xf32, #tpu.memory_space<vmem>>)
      %dma_wait3A_159 = arith.constant 128 : i32
      %dma_wait3A_160 = arith.constant 0 : i32
      %dma_wait3A_161 = tpu.memref_slice %arg12[%dma_wait3A_159, %dma_wait3A_160] : memref<640x64xf32, #tpu.memory_space<vmem>> -> memref<128x64xf32, #tpu.memory_space<vmem>>
      %dma_wait3A_162 = arith.constant 128 : i32
      %dma_wait3A_163 = tpu.memref_slice %arg10[%dma_wait3A_162] : memref<640xi32, #tpu.memory_space<vmem>> -> memref<128xi32, #tpu.memory_space<vmem>>
      %dma_wait3A_164 = arith.constant 0 : i32
      %dma_wait3A_165 = arith.constant 0 : i32
      %dma_wait3A_166 = tpu.memref_slice %arg4[%dma_wait3A_164, %dma_wait3A_165] : memref<10000x64xf32, #tpu.memory_space<hbm>> -> memref<10000x64xf32, #tpu.memory_space<hbm>>
      tpu.wait_indirect_dma semaphore(%arg14 : memref<!tpu.dma_semaphore, #tpu.memory_space<semaphore_mem>>) src(%dma_wait3A_166 : memref<10000x64xf32, #tpu.memory_space<hbm>>) dst(%dma_wait3A_161 : memref<128x64xf32, #tpu.memory_space<vmem>>)
      %dma_wait3A_167 = arith.constant 128 : i32
      %dma_wait3A_168 = arith.constant 0 : i32
      %dma_wait3A_169 = tpu.memref_slice %arg13[%dma_wait3A_167, %dma_wait3A_168] : memref<640x64xf32, #tpu.memory_space<vmem>> -> memref<128x64xf32, #tpu.memory_space<vmem>>
      %dma_wait3A_170 = arith.constant 128 : i32
      %dma_wait3A_171 = tpu.memref_slice %arg11[%dma_wait3A_170] : memref<640xi32, #tpu.memory_space<vmem>> -> memref<128xi32, #tpu.memory_space<vmem>>
      %dma_wait3A_172 = arith.constant 0 : i32
      %dma_wait3A_173 = arith.constant 0 : i32
      %dma_wait3A_174 = tpu.memref_slice %arg5[%dma_wait3A_172, %dma_wait3A_173] : memref<10000x64xf32, #tpu.memory_space<hbm>> -> memref<10000x64xf32, #tpu.memory_space<hbm>>
      tpu.wait_indirect_dma semaphore(%arg14 : memref<!tpu.dma_semaphore, #tpu.memory_space<semaphore_mem>>) src(%dma_wait3A_174 : memref<10000x64xf32, #tpu.memory_space<hbm>>) dst(%dma_wait3A_169 : memref<128x64xf32, #tpu.memory_space<vmem>>)
      %dma_wait3A_175 = arith.constant 256 : i32
      %dma_wait3A_176 = arith.constant 0 : i32
      %dma_wait3A_177 = tpu.memref_slice %arg12[%dma_wait3A_175, %dma_wait3A_176] : memref<640x64xf32, #tpu.memory_space<vmem>> -> memref<128x64xf32, #tpu.memory_space<vmem>>
      %dma_wait3A_178 = arith.constant 256 : i32
      %dma_wait3A_179 = tpu.memref_slice %arg10[%dma_wait3A_178] : memref<640xi32, #tpu.memory_space<vmem>> -> memref<128xi32, #tpu.memory_space<vmem>>
      %dma_wait3A_180 = arith.constant 0 : i32
      %dma_wait3A_181 = arith.constant 0 : i32
      %dma_wait3A_182 = tpu.memref_slice %arg4[%dma_wait3A_180, %dma_wait3A_181] : memref<10000x64xf32, #tpu.memory_space<hbm>> -> memref<10000x64xf32, #tpu.memory_space<hbm>>
      tpu.wait_indirect_dma semaphore(%arg14 : memref<!tpu.dma_semaphore, #tpu.memory_space<semaphore_mem>>) src(%dma_wait3A_182 : memref<10000x64xf32, #tpu.memory_space<hbm>>) dst(%dma_wait3A_177 : memref<128x64xf32, #tpu.memory_space<vmem>>)
      %dma_wait3A_183 = arith.constant 256 : i32
      %dma_wait3A_184 = arith.constant 0 : i32
      %dma_wait3A_185 = tpu.memref_slice %arg13[%dma_wait3A_183, %dma_wait3A_184] : memref<640x64xf32, #tpu.memory_space<vmem>> -> memref<128x64xf32, #tpu.memory_space<vmem>>
      %dma_wait3A_186 = arith.constant 256 : i32
      %dma_wait3A_187 = tpu.memref_slice %arg11[%dma_wait3A_186] : memref<640xi32, #tpu.memory_space<vmem>> -> memref<128xi32, #tpu.memory_space<vmem>>
      %dma_wait3A_188 = arith.constant 0 : i32
      %dma_wait3A_189 = arith.constant 0 : i32
      %dma_wait3A_190 = tpu.memref_slice %arg5[%dma_wait3A_188, %dma_wait3A_189] : memref<10000x64xf32, #tpu.memory_space<hbm>> -> memref<10000x64xf32, #tpu.memory_space<hbm>>
      tpu.wait_indirect_dma semaphore(%arg14 : memref<!tpu.dma_semaphore, #tpu.memory_space<semaphore_mem>>) src(%dma_wait3A_190 : memref<10000x64xf32, #tpu.memory_space<hbm>>) dst(%dma_wait3A_185 : memref<128x64xf32, #tpu.memory_space<vmem>>)
      %dma_wait3A_191 = arith.constant 384 : i32
      %dma_wait3A_192 = arith.constant 0 : i32
      %dma_wait3A_193 = tpu.memref_slice %arg12[%dma_wait3A_191, %dma_wait3A_192] : memref<640x64xf32, #tpu.memory_space<vmem>> -> memref<128x64xf32, #tpu.memory_space<vmem>>
      %dma_wait3A_194 = arith.constant 384 : i32
      %dma_wait3A_195 = tpu.memref_slice %arg10[%dma_wait3A_194] : memref<640xi32, #tpu.memory_space<vmem>> -> memref<128xi32, #tpu.memory_space<vmem>>
      %dma_wait3A_196 = arith.constant 0 : i32
      %dma_wait3A_197 = arith.constant 0 : i32
      %dma_wait3A_198 = tpu.memref_slice %arg4[%dma_wait3A_196, %dma_wait3A_197] : memref<10000x64xf32, #tpu.memory_space<hbm>> -> memref<10000x64xf32, #tpu.memory_space<hbm>>
      tpu.wait_indirect_dma semaphore(%arg14 : memref<!tpu.dma_semaphore, #tpu.memory_space<semaphore_mem>>) src(%dma_wait3A_198 : memref<10000x64xf32, #tpu.memory_space<hbm>>) dst(%dma_wait3A_193 : memref<128x64xf32, #tpu.memory_space<vmem>>)
      %dma_wait3A_199 = arith.constant 384 : i32
      %dma_wait3A_200 = arith.constant 0 : i32
      %dma_wait3A_201 = tpu.memref_slice %arg13[%dma_wait3A_199, %dma_wait3A_200] : memref<640x64xf32, #tpu.memory_space<vmem>> -> memref<128x64xf32, #tpu.memory_space<vmem>>
      %dma_wait3A_202 = arith.constant 384 : i32
      %dma_wait3A_203 = tpu.memref_slice %arg11[%dma_wait3A_202] : memref<640xi32, #tpu.memory_space<vmem>> -> memref<128xi32, #tpu.memory_space<vmem>>
      %dma_wait3A_204 = arith.constant 0 : i32
      %dma_wait3A_205 = arith.constant 0 : i32
      %dma_wait3A_206 = tpu.memref_slice %arg5[%dma_wait3A_204, %dma_wait3A_205] : memref<10000x64xf32, #tpu.memory_space<hbm>> -> memref<10000x64xf32, #tpu.memory_space<hbm>>
      tpu.wait_indirect_dma semaphore(%arg14 : memref<!tpu.dma_semaphore, #tpu.memory_space<semaphore_mem>>) src(%dma_wait3A_206 : memref<10000x64xf32, #tpu.memory_space<hbm>>) dst(%dma_wait3A_201 : memref<128x64xf32, #tpu.memory_space<vmem>>)
      %dma_wait3A_207 = arith.constant 512 : i32
      %dma_wait3A_208 = arith.constant 0 : i32
      %dma_wait3A_209 = tpu.memref_slice %arg12[%dma_wait3A_207, %dma_wait3A_208] : memref<640x64xf32, #tpu.memory_space<vmem>> -> memref<128x64xf32, #tpu.memory_space<vmem>>
      %dma_wait3A_210 = arith.constant 512 : i32
      %dma_wait3A_211 = tpu.memref_slice %arg10[%dma_wait3A_210] : memref<640xi32, #tpu.memory_space<vmem>> -> memref<128xi32, #tpu.memory_space<vmem>>
      %dma_wait3A_212 = arith.constant 0 : i32
      %dma_wait3A_213 = arith.constant 0 : i32
      %dma_wait3A_214 = tpu.memref_slice %arg4[%dma_wait3A_212, %dma_wait3A_213] : memref<10000x64xf32, #tpu.memory_space<hbm>> -> memref<10000x64xf32, #tpu.memory_space<hbm>>
      tpu.wait_indirect_dma semaphore(%arg14 : memref<!tpu.dma_semaphore, #tpu.memory_space<semaphore_mem>>) src(%dma_wait3A_214 : memref<10000x64xf32, #tpu.memory_space<hbm>>) dst(%dma_wait3A_209 : memref<128x64xf32, #tpu.memory_space<vmem>>)
      %dma_wait3A_215 = arith.constant 512 : i32
      %dma_wait3A_216 = arith.constant 0 : i32
      %dma_wait3A_217 = tpu.memref_slice %arg13[%dma_wait3A_215, %dma_wait3A_216] : memref<640x64xf32, #tpu.memory_space<vmem>> -> memref<128x64xf32, #tpu.memory_space<vmem>>
      %dma_wait3A_218 = arith.constant 512 : i32
      %dma_wait3A_219 = tpu.memref_slice %arg11[%dma_wait3A_218] : memref<640xi32, #tpu.memory_space<vmem>> -> memref<128xi32, #tpu.memory_space<vmem>>
      %dma_wait3A_220 = arith.constant 0 : i32
      %dma_wait3A_221 = arith.constant 0 : i32
      %dma_wait3A_222 = tpu.memref_slice %arg5[%dma_wait3A_220, %dma_wait3A_221] : memref<10000x64xf32, #tpu.memory_space<hbm>> -> memref<10000x64xf32, #tpu.memory_space<hbm>>
      tpu.wait_indirect_dma semaphore(%arg14 : memref<!tpu.dma_semaphore, #tpu.memory_space<semaphore_mem>>) src(%dma_wait3A_222 : memref<10000x64xf32, #tpu.memory_space<hbm>>) dst(%dma_wait3A_217 : memref<128x64xf32, #tpu.memory_space<vmem>>)
      %iota3A = tpu.iota {dimensions = array<i32: 0>} : vector<16xi32>
      %mul3A_223 = arith.constant 0 : i32
      %mul3A_224 = vector.broadcast %mul3A_223 : i32 to vector<16xi32>
      %mul3A_225 = arith.muli %iota3A, %mul3A_224 : vector<16xi32>
      %scan3A_226 = arith.constant 0 : i32
      %scan3A_227 = arith.constant 0 : i32
      %scan3A_228 = arith.constant 40 : i32
      %scan3A_229 = arith.addi %scan3A_227, %scan3A_228 : i32
      %scan3A_230 = arith.constant 1 : i32
      %scan3A_231 = scf.for %scan3A_242 = %scan3A_227 to %scan3A_229 step %scan3A_230 iter_args(%scan3A_243 = %scan3A_226) -> (i32)  : i32 {
        %mul3A_244 = arith.constant 16 : i32
        %mul3A_245 = arith.muli %scan3A_242, %mul3A_244 : i32
        %get3A = arith.index_cast %mul3A_245 : i32 to index
        %get3A_246 = tpu.vector_load %arg8[%get3A] {strides = array<i32>} : memref<640xi32, #tpu.memory_space<vmem>>, vector<16xi32>,
        %get3A_247 = arith.index_cast %mul3A_245 : i32 to index
        %get3A_248 = tpu.vector_load %arg9[%get3A_247] {strides = array<i32>} : memref<640xi32, #tpu.memory_space<vmem>>, vector<16xi32>,
        %gt3A = arith.cmpi sgt, %get3A_246, %get3A_248 : vector<16xi32>
        %jit3A_249 = arith.constant 1 : i32
        %jit3A_250 = arith.constant 0 : i32
        %broadcast_in_dim3A = vector.broadcast %jit3A_249 : i32 to vector<16xi32>
        %broadcast_in_dim3A_251 = vector.broadcast %jit3A_250 : i32 to vector<16xi32>
        %select_n3A_252 = arith.select %gt3A, %broadcast_in_dim3A, %broadcast_in_dim3A_251 : vector<16xi1>, vector<16xi32>
        %mul3A_253 = arith.constant 16 : i32
        %mul3A_254 = arith.muli %scan3A_242, %mul3A_253 : i32
        %add3A_255 = vector.broadcast %mul3A_254 : i32 to vector<16xi32>
        %add3A_256 = arith.addi %iota3A, %add3A_255 : vector<16xi32>
        %gather3A = tpu.vector_load_idx %arg12[%add3A_256, %mul3A_225] : memref<640x64xf32, #tpu.memory_space<vmem>>[vector<16xi32>, vector<16xi32>], vector<16xf32>,
        %bitcast3A = vector.bitcast %gather3A : vector<16xf32> to vector<16xi32>
        %and3A_257 = arith.constant -2 : i32
        %and3A_258 = vector.broadcast %and3A_257 : i32 to vector<16xi32>
        %and3A_259 = arith.andi %bitcast3A, %and3A_258 : vector<16xi32>
        %or3A = arith.ori %and3A_259, %select_n3A_252 : vector<16xi32>
        %bitcast3A_260 = vector.bitcast %or3A : vector<16xi32> to vector<16xf32>
        tpu.vector_store_idx %arg12[%add3A_256, %mul3A_225], %bitcast3A_260 : memref<640x64xf32, #tpu.memory_space<vmem>>[vector<16xi32>, vector<16xi32>], vector<16xf32>,
        %scan3A_261 = arith.constant 0 : i32
        scf.yield %scan3A_261 : i32
      }
      %scan3A_232 = arith.constant 40 : i32
      %eq3A_233 = arith.constant 0 : i32
      %eq3A_234 = arith.cmpi eq, %select_n3A_9, %eq3A_233 : i32
      %convert_element_type3A = arith.extui %eq3A_234 : i1 to i32
      %cond3A = arith.constant 0 : i32
      %cond3A_235 = arith.cmpi ne, %convert_element_type3A, %cond3A : i32
      scf.if %cond3A_235 {
        "tpu.region"() ({
          %run_scoped3A = tpu.sem_alloc : memref<!tpu.dma_semaphore, #tpu.memory_space<semaphore_mem>>
          %dma_start3A_242 = arith.constant 0 : i32
          %dma_start3A_243 = tpu.memref_slice %arg6[%mul3A_55, %dma_start3A_242] : memref<160000x128xf32, #tpu.memory_space<hbm>> -> memref<640x64xf32, #tpu.memory_space<hbm>>
          %dma_start3A_244 = arith.constant 0 : i32
          %dma_start3A_245 = tpu.memref_slice %arg6[%mul3A_55, %dma_start3A_244] : memref<160000x128xf32, #tpu.memory_space<hbm>> -> memref<640x64xf32, #tpu.memory_space<hbm>>
          tpu.enqueue_dma source(%arg12 : memref<640x64xf32, #tpu.memory_space<vmem>>) target(%dma_start3A_245 : memref<640x64xf32, #tpu.memory_space<hbm>>) target_semaphore(%run_scoped3A : memref<!tpu.dma_semaphore, #tpu.memory_space<semaphore_mem>>)
          %dma_wait3A_246 = arith.constant 0 : i32
          %dma_wait3A_247 = tpu.memref_slice %arg6[%mul3A_55, %dma_wait3A_246] : memref<160000x128xf32, #tpu.memory_space<hbm>> -> memref<640x64xf32, #tpu.memory_space<hbm>>
          %dma_wait3A_248 = arith.constant 0 : i32
          %dma_wait3A_249 = tpu.memref_slice %arg6[%mul3A_55, %dma_wait3A_248] : memref<160000x128xf32, #tpu.memory_space<hbm>> -> memref<640x64xf32, #tpu.memory_space<hbm>>
          tpu.wait_dma2 semaphore(%run_scoped3A : memref<!tpu.dma_semaphore, #tpu.memory_space<semaphore_mem>>) src(%arg12 : memref<640x64xf32, #tpu.memory_space<vmem>>) dst(%dma_wait3A_249 : memref<640x64xf32, #tpu.memory_space<hbm>>)
          tpu.yield
        }) : () -> ()
        "tpu.region"() ({
          %run_scoped3A = tpu.sem_alloc : memref<!tpu.dma_semaphore, #tpu.memory_space<semaphore_mem>>
          %dma_start3A_242 = arith.constant 0 : i32
          %dma_start3A_243 = tpu.memref_slice %arg7[%mul3A_55, %dma_start3A_242] : memref<160000x128xf32, #tpu.memory_space<hbm>> -> memref<640x64xf32, #tpu.memory_space<hbm>>
          %dma_start3A_244 = arith.constant 0 : i32
          %dma_start3A_245 = tpu.memref_slice %arg7[%mul3A_55, %dma_start3A_244] : memref<160000x128xf32, #tpu.memory_space<hbm>> -> memref<640x64xf32, #tpu.memory_space<hbm>>
          tpu.enqueue_dma source(%arg13 : memref<640x64xf32, #tpu.memory_space<vmem>>) target(%dma_start3A_245 : memref<640x64xf32, #tpu.memory_space<hbm>>) target_semaphore(%run_scoped3A : memref<!tpu.dma_semaphore, #tpu.memory_space<semaphore_mem>>)
          %dma_wait3A_246 = arith.constant 0 : i32
          %dma_wait3A_247 = tpu.memref_slice %arg7[%mul3A_55, %dma_wait3A_246] : memref<160000x128xf32, #tpu.memory_space<hbm>> -> memref<640x64xf32, #tpu.memory_space<hbm>>
          %dma_wait3A_248 = arith.constant 0 : i32
          %dma_wait3A_249 = tpu.memref_slice %arg7[%mul3A_55, %dma_wait3A_248] : memref<160000x128xf32, #tpu.memory_space<hbm>> -> memref<640x64xf32, #tpu.memory_space<hbm>>
          tpu.wait_dma2 semaphore(%run_scoped3A : memref<!tpu.dma_semaphore, #tpu.memory_space<semaphore_mem>>) src(%arg13 : memref<640x64xf32, #tpu.memory_space<vmem>>) dst(%dma_wait3A_249 : memref<640x64xf32, #tpu.memory_space<hbm>>)
          tpu.yield
        }) : () -> ()
      } else {
      }
      %eq3A_236 = arith.constant 1 : i32
      %eq3A_237 = arith.cmpi eq, %select_n3A_9, %eq3A_236 : i32
      %convert_element_type3A_238 = arith.extui %eq3A_237 : i1 to i32
      %cond3A_239 = arith.constant 0 : i32
      %cond3A_240 = arith.cmpi ne, %convert_element_type3A_238, %cond3A_239 : i32
      scf.if %cond3A_240 {
        "tpu.region"() ({
          %run_scoped3A = tpu.sem_alloc : memref<!tpu.dma_semaphore, #tpu.memory_space<semaphore_mem>>
          %dma_start3A_242 = arith.constant 64 : i32
          %dma_start3A_243 = tpu.memref_slice %arg6[%mul3A_55, %dma_start3A_242] : memref<160000x128xf32, #tpu.memory_space<hbm>> -> memref<640x64xf32, #tpu.memory_space<hbm>>
          %dma_start3A_244 = arith.constant 64 : i32
          %dma_start3A_245 = tpu.memref_slice %arg6[%mul3A_55, %dma_start3A_244] : memref<160000x128xf32, #tpu.memory_space<hbm>> -> memref<640x64xf32, #tpu.memory_space<hbm>>
          tpu.enqueue_dma source(%arg12 : memref<640x64xf32, #tpu.memory_space<vmem>>) target(%dma_start3A_245 : memref<640x64xf32, #tpu.memory_space<hbm>>) target_semaphore(%run_scoped3A : memref<!tpu.dma_semaphore, #tpu.memory_space<semaphore_mem>>)
          %dma_wait3A_246 = arith.constant 64 : i32
          %dma_wait3A_247 = tpu.memref_slice %arg6[%mul3A_55, %dma_wait3A_246] : memref<160000x128xf32, #tpu.memory_space<hbm>> -> memref<640x64xf32, #tpu.memory_space<hbm>>
          %dma_wait3A_248 = arith.constant 64 : i32
          %dma_wait3A_249 = tpu.memref_slice %arg6[%mul3A_55, %dma_wait3A_248] : memref<160000x128xf32, #tpu.memory_space<hbm>> -> memref<640x64xf32, #tpu.memory_space<hbm>>
          tpu.wait_dma2 semaphore(%run_scoped3A : memref<!tpu.dma_semaphore, #tpu.memory_space<semaphore_mem>>) src(%arg12 : memref<640x64xf32, #tpu.memory_space<vmem>>) dst(%dma_wait3A_249 : memref<640x64xf32, #tpu.memory_space<hbm>>)
          tpu.yield
        }) : () -> ()
        "tpu.region"() ({
          %run_scoped3A = tpu.sem_alloc : memref<!tpu.dma_semaphore, #tpu.memory_space<semaphore_mem>>
          %dma_start3A_242 = arith.constant 64 : i32
          %dma_start3A_243 = tpu.memref_slice %arg7[%mul3A_55, %dma_start3A_242] : memref<160000x128xf32, #tpu.memory_space<hbm>> -> memref<640x64xf32, #tpu.memory_space<hbm>>
          %dma_start3A_244 = arith.constant 64 : i32
          %dma_start3A_245 = tpu.memref_slice %arg7[%mul3A_55, %dma_start3A_244] : memref<160000x128xf32, #tpu.memory_space<hbm>> -> memref<640x64xf32, #tpu.memory_space<hbm>>
          tpu.enqueue_dma source(%arg13 : memref<640x64xf32, #tpu.memory_space<vmem>>) target(%dma_start3A_245 : memref<640x64xf32, #tpu.memory_space<hbm>>) target_semaphore(%run_scoped3A : memref<!tpu.dma_semaphore, #tpu.memory_space<semaphore_mem>>)
          %dma_wait3A_246 = arith.constant 64 : i32
          %dma_wait3A_247 = tpu.memref_slice %arg7[%mul3A_55, %dma_wait3A_246] : memref<160000x128xf32, #tpu.memory_space<hbm>> -> memref<640x64xf32, #tpu.memory_space<hbm>>
          %dma_wait3A_248 = arith.constant 64 : i32
          %dma_wait3A_249 = tpu.memref_slice %arg7[%mul3A_55, %dma_wait3A_248] : memref<160000x128xf32, #tpu.memory_space<hbm>> -> memref<640x64xf32, #tpu.memory_space<hbm>>
          tpu.wait_dma2 semaphore(%run_scoped3A : memref<!tpu.dma_semaphore, #tpu.memory_space<semaphore_mem>>) src(%arg13 : memref<640x64xf32, #tpu.memory_space<vmem>>) dst(%dma_wait3A_249 : memref<640x64xf32, #tpu.memory_space<hbm>>)
          tpu.yield
        }) : () -> ()
      } else {
      }
      %while3A_241 = arith.constant 0 : i32
      scf.yield %while3A_241 : i32
    }
    return
  }
}

module attributes {stable_mosaic.version = 14 : i64} {
  func.func @_proj_body(%arg0: memref<10000x128xf32, #tpu.memory_space<vmem>>, %arg1: memref<384x64xf32, #tpu.memory_space<vmem>>, %arg2: memref<1x64xf32, #tpu.memory_space<vmem>>, %arg3: memref<10000x64xf32, #tpu.memory_space<vmem>>, %arg4: memref<10000x64xf32, #tpu.memory_space<vmem>>) attributes {dimension_semantics = [], scalar_prefetch = 0 : i64, scratch_operands = 0 : i64, tpu.core_type = #tpu.core_type<tc>} {
    %get3A = arith.constant 0 : index
    %get3A_0 = arith.constant 0 : index
    %get3A_1 = vector.load %arg1[%get3A, %get3A_0] : memref<384x64xf32, #tpu.memory_space<vmem>>, vector<384x64xf32>
    %slice3A = vector.extract_strided_slice %get3A_1 {offsets = [0, 0], sizes = [128, 64], strides = [1, 1]} : vector<384x64xf32> to vector<128x64xf32>
    %slice3A_2 = vector.extract_strided_slice %get3A_1 {offsets = [256, 0], sizes = [128, 64], strides = [1, 1]} : vector<384x64xf32> to vector<128x64xf32>
    %add3A = arith.addf %slice3A, %slice3A_2 : vector<128x64xf32>
    %slice3A_3 = vector.extract_strided_slice %get3A_1 {offsets = [128, 0], sizes = [128, 64], strides = [1, 1]} : vector<384x64xf32> to vector<128x64xf32>
    %slice3A_4 = vector.extract_strided_slice %get3A_1 {offsets = [256, 0], sizes = [128, 64], strides = [1, 1]} : vector<384x64xf32> to vector<128x64xf32>
    %sub3A = arith.subf %slice3A_3, %slice3A_4 : vector<128x64xf32>
    %get3A_5 = arith.constant 0 : index
    %get3A_6 = arith.constant 0 : index
    %get3A_7 = vector.load %arg0[%get3A_5, %get3A_6] : memref<10000x128xf32, #tpu.memory_space<vmem>>, vector<10000x128xf32>
    %dot_general3A = arith.constant dense<0.000000e+00> : vector<10000x64xf32>
    %dot_general3A_8 = tpu.matmul %get3A_7, %add3A, %dot_general3A {dimension_numbers = #tpu.dot_dimension_numbers<[1], [0], [0], [1], [0, 0, 1, 1], [], []>, transpose_lhs_hint = false} : vector<10000x128xf32>, vector<128x64xf32>, vector<10000x64xf32> -> vector<10000x64xf32>
    %get3A_9 = arith.constant 0 : index
    %get3A_10 = arith.constant 0 : index
    %get3A_11 = vector.load %arg2[%get3A_9, %get3A_10] : memref<1x64xf32, #tpu.memory_space<vmem>>, vector<1x64xf32>
    %add3A_12 = vector.broadcast %get3A_11 : vector<1x64xf32> to vector<10000x64xf32>
    %add3A_13 = arith.addf %dot_general3A_8, %add3A_12 : vector<10000x64xf32>
    %swap3A = arith.constant 0 : index
    %swap3A_14 = arith.constant 0 : index
    %swap3A_15 = vector.load %arg3[%swap3A, %swap3A_14] : memref<10000x64xf32, #tpu.memory_space<vmem>>, vector<10000x64xf32>
    tpu.vector_store %arg3[%swap3A, %swap3A_14], %add3A_13 {strides = array<i32>} : memref<10000x64xf32, #tpu.memory_space<vmem>>, vector<10000x64xf32>,
    %dot_general3A_16 = arith.constant dense<0.000000e+00> : vector<10000x64xf32>
    %dot_general3A_17 = tpu.matmul %get3A_7, %sub3A, %dot_general3A_16 {dimension_numbers = #tpu.dot_dimension_numbers<[1], [0], [0], [1], [0, 0, 1, 1], [], []>, transpose_lhs_hint = false} : vector<10000x128xf32>, vector<128x64xf32>, vector<10000x64xf32> -> vector<10000x64xf32>
    %swap3A_18 = arith.constant 0 : index
    %swap3A_19 = arith.constant 0 : index
    %swap3A_20 = vector.load %arg4[%swap3A_18, %swap3A_19] : memref<10000x64xf32, #tpu.memory_space<vmem>>, vector<10000x64xf32>
    tpu.vector_store %arg4[%swap3A_18, %swap3A_19], %dot_general3A_17 {strides = array<i32>} : memref<10000x64xf32, #tpu.memory_space<vmem>>, vector<10000x64xf32>,
    return
  }
}

module attributes {stable_mosaic.version = 14 : i64} {
  func.func @_mlp_body(%arg0: i32, %arg1: i32, %arg2: memref<2000x128xf32, #tpu.memory_space<vmem>>, %arg3: memref<2000x128xf32, #tpu.memory_space<vmem>>, %arg4: memref<64x64xf32, #tpu.memory_space<vmem>>, %arg5: memref<1x64xf32, #tpu.memory_space<vmem>>, %arg6: memref<64x64xf32, #tpu.memory_space<vmem>>, %arg7: memref<1x64xf32, #tpu.memory_space<vmem>>, %arg8: memref<64x64xf32, #tpu.memory_space<vmem>>, %arg9: memref<2000x64xf32, #tpu.memory_space<vmem>>) attributes {dimension_semantics = [#tpu.dimension_semantics<arbitrary>, #tpu.dimension_semantics<arbitrary>], iteration_bounds = array<i64: 80, 2>, scalar_prefetch = 0 : i64, scratch_operands = 0 : i64, tpu.core_type = #tpu.core_type<tc>, window_params = [{transform_indices = @transform_0, window_bounds = array<i64: 2000, 128>}, {transform_indices = @transform_1, window_bounds = array<i64: 2000, 128>}, {pipeline_mode = #tpu.pipeline_mode<synchronous>, transform_indices = @transform_2, window_bounds = array<i64: 64, 64>}, {pipeline_mode = #tpu.pipeline_mode<synchronous>, transform_indices = @transform_3, window_bounds = array<i64: 1, 64>}, {pipeline_mode = #tpu.pipeline_mode<synchronous>, transform_indices = @transform_4, window_bounds = array<i64: 64, 64>}, {pipeline_mode = #tpu.pipeline_mode<synchronous>, transform_indices = @transform_5, window_bounds = array<i64: 1, 64>}, {pipeline_mode = #tpu.pipeline_mode<synchronous>, transform_indices = @transform_6, window_bounds = array<i64: 64, 64>}, {transform_indices = @transform_7, window_bounds = array<i64: 2000, 64>}]} {
    %get3A = arith.constant 0 : index
    %get3A_0 = arith.constant 0 : index
    %get3A_1 = vector.load %arg2[%get3A, %get3A_0] : memref<2000x128xf32, #tpu.memory_space<vmem>>, vector<2000x128xf32>
    %get3A_2 = arith.constant 0 : index
    %get3A_3 = arith.constant 0 : index
    %get3A_4 = vector.load %arg3[%get3A_2, %get3A_3] : memref<2000x128xf32, #tpu.memory_space<vmem>>, vector<2000x128xf32>
    %eq3A = arith.constant 0 : i32
    %eq3A_5 = arith.cmpi eq, %arg1, %eq3A : i32
    %slice3A = vector.extract_strided_slice %get3A_1 {offsets = [0, 0], sizes = [2000, 64], strides = [1, 1]} : vector<2000x128xf32> to vector<2000x64xf32>
    %slice3A_6 = vector.extract_strided_slice %get3A_1 {offsets = [0, 64], sizes = [2000, 64], strides = [1, 1]} : vector<2000x128xf32> to vector<2000x64xf32>
    %select_n3A = arith.select %eq3A_5, %slice3A, %slice3A_6 : vector<2000x64xf32>
    %eq3A_7 = arith.constant 0 : i32
    %eq3A_8 = arith.cmpi eq, %arg1, %eq3A_7 : i32
    %slice3A_9 = vector.extract_strided_slice %get3A_4 {offsets = [0, 0], sizes = [2000, 64], strides = [1, 1]} : vector<2000x128xf32> to vector<2000x64xf32>
    %slice3A_10 = vector.extract_strided_slice %get3A_4 {offsets = [0, 64], sizes = [2000, 64], strides = [1, 1]} : vector<2000x128xf32> to vector<2000x64xf32>
    %select_n3A_11 = arith.select %eq3A_8, %slice3A_9, %slice3A_10 : vector<2000x64xf32>
    %slice3A_12 = vector.extract_strided_slice %select_n3A {offsets = [0, 0], sizes = [2000, 1], strides = [1, 1]} : vector<2000x64xf32> to vector<2000x1xf32>
    %bitcast_convert_type3A = tpu.bitcast %slice3A_12 : vector<2000x1xf32> -> vector<2000x1xi32>
    %and3A = arith.constant 1 : i32
    %and3A_13 = vector.broadcast %and3A : i32 to vector<2000x1xi32>
    %and3A_14 = arith.andi %bitcast_convert_type3A, %and3A_13 : vector<2000x1xi32>
    %mul3A = arith.constant 2 : i32
    %mul3A_15 = vector.broadcast %mul3A : i32 to vector<2000x1xi32>
    %mul3A_16 = arith.muli %mul3A_15, %and3A_14 : vector<2000x1xi32>
    %sub3A = arith.constant 1 : i32
    %sub3A_17 = vector.broadcast %sub3A : i32 to vector<2000x1xi32>
    %sub3A_18 = arith.subi %sub3A_17, %mul3A_16 : vector<2000x1xi32>
    %convert_element_type3A = arith.sitofp %sub3A_18 : vector<2000x1xi32> to vector<2000x1xf32>
    %add3A = arith.addf %select_n3A, %select_n3A_11 : vector<2000x64xf32>
    %tanh3A = math.tanh %add3A : vector<2000x64xf32>
    %get3A_19 = arith.constant 0 : index
    %get3A_20 = arith.constant 0 : index
    %get3A_21 = vector.load %arg4[%get3A_19, %get3A_20] : memref<64x64xf32, #tpu.memory_space<vmem>>, vector<64x64xf32>
    %dot_general3A = arith.constant dense<0.000000e+00> : vector<2000x64xf32>
    %dot_general3A_22 = tpu.matmul %tanh3A, %get3A_21, %dot_general3A {dimension_numbers = #tpu.dot_dimension_numbers<[1], [0], [0], [1], [0, 0, 1, 1], [], []>, transpose_lhs_hint = false} : vector<2000x64xf32>, vector<64x64xf32>, vector<2000x64xf32> -> vector<2000x64xf32>
    %get3A_23 = arith.constant 0 : index
    %get3A_24 = arith.constant 0 : index
    %get3A_25 = vector.load %arg5[%get3A_23, %get3A_24] : memref<1x64xf32, #tpu.memory_space<vmem>>, vector<1x64xf32>
    %add3A_26 = vector.broadcast %get3A_25 : vector<1x64xf32> to vector<2000x64xf32>
    %add3A_27 = arith.addf %dot_general3A_22, %add3A_26 : vector<2000x64xf32>
    %tanh3A_28 = math.tanh %add3A_27 : vector<2000x64xf32>
    %get3A_29 = arith.constant 0 : index
    %get3A_30 = arith.constant 0 : index
    %get3A_31 = vector.load %arg6[%get3A_29, %get3A_30] : memref<64x64xf32, #tpu.memory_space<vmem>>, vector<64x64xf32>
    %dot_general3A_32 = arith.constant dense<0.000000e+00> : vector<2000x64xf32>
    %dot_general3A_33 = tpu.matmul %tanh3A_28, %get3A_31, %dot_general3A_32 {dimension_numbers = #tpu.dot_dimension_numbers<[1], [0], [0], [1], [0, 0, 1, 1], [], []>, transpose_lhs_hint = false} : vector<2000x64xf32>, vector<64x64xf32>, vector<2000x64xf32> -> vector<2000x64xf32>
    %get3A_34 = arith.constant 0 : index
    %get3A_35 = arith.constant 0 : index
    %get3A_36 = vector.load %arg7[%get3A_34, %get3A_35] : memref<1x64xf32, #tpu.memory_space<vmem>>, vector<1x64xf32>
    %add3A_37 = vector.broadcast %get3A_36 : vector<1x64xf32> to vector<2000x64xf32>
    %add3A_38 = arith.addf %dot_general3A_33, %add3A_37 : vector<2000x64xf32>
    %mul3A_39 = arith.constant 1.500000e+00 : f32
    %mul3A_40 = vector.broadcast %mul3A_39 : f32 to vector<2000x1xf32>
    %mul3A_41 = arith.mulf %mul3A_40, %convert_element_type3A : vector<2000x1xf32>
    %tanh3A_42 = math.tanh %add3A_38 : vector<2000x64xf32>
    %mul3A_43 = vector.broadcast %mul3A_41 : vector<2000x1xf32> to vector<2000x64xf32>
    %mul3A_44 = arith.mulf %mul3A_43, %tanh3A_42 : vector<2000x64xf32>
    %get3A_45 = arith.constant 0 : index
    %get3A_46 = arith.constant 0 : index
    %get3A_47 = vector.load %arg8[%get3A_45, %get3A_46] : memref<64x64xf32, #tpu.memory_space<vmem>>, vector<64x64xf32>
    %dot_general3A_48 = arith.constant dense<0.000000e+00> : vector<2000x64xf32>
    %dot_general3A_49 = tpu.matmul %mul3A_44, %get3A_47, %dot_general3A_48 {dimension_numbers = #tpu.dot_dimension_numbers<[1], [0], [0], [1], [0, 0, 1, 1], [], []>, transpose_lhs_hint = false} : vector<2000x64xf32>, vector<64x64xf32>, vector<2000x64xf32> -> vector<2000x64xf32>
    %sub3A_50 = arith.subf %mul3A_44, %dot_general3A_49 : vector<2000x64xf32>
    %swap3A = arith.constant 0 : index
    %swap3A_51 = arith.constant 0 : index
    %swap3A_52 = vector.load %arg9[%swap3A, %swap3A_51] : memref<2000x64xf32, #tpu.memory_space<vmem>>, vector<2000x64xf32>
    tpu.vector_store %arg9[%swap3A, %swap3A_51], %sub3A_50 {strides = array<i32>} : memref<2000x64xf32, #tpu.memory_space<vmem>>, vector<2000x64xf32>,
    return
  }
  func.func @transform_0(%arg0: i32, %arg1: i32) -> (i32, i32) {
    %c0_i32 = arith.constant 0 : i32
    %c0_i32_0 = arith.constant 0 : i32
    return %arg0, %c0_i32 : i32, i32
  }
  func.func @transform_1(%arg0: i32, %arg1: i32) -> (i32, i32) {
    %c0_i32 = arith.constant 0 : i32
    %c0_i32_0 = arith.constant 0 : i32
    return %arg0, %c0_i32 : i32, i32
  }
  func.func @transform_2(%arg0: i32, %arg1: i32) -> (i32, i32) {
    %c0_i32 = arith.constant 0 : i32
    %c0_i32_0 = arith.constant 0 : i32
    %c0_i32_1 = arith.constant 0 : i32
    return %c0_i32, %c0_i32_0 : i32, i32
  }
  func.func @transform_3(%arg0: i32, %arg1: i32) -> (i32, i32) {
    %c0_i32 = arith.constant 0 : i32
    %c0_i32_0 = arith.constant 0 : i32
    %c0_i32_1 = arith.constant 0 : i32
    return %c0_i32, %c0_i32_0 : i32, i32
  }
  func.func @transform_4(%arg0: i32, %arg1: i32) -> (i32, i32) {
    %c0_i32 = arith.constant 0 : i32
    %c0_i32_0 = arith.constant 0 : i32
    %c0_i32_1 = arith.constant 0 : i32
    return %c0_i32, %c0_i32_0 : i32, i32
  }
  func.func @transform_5(%arg0: i32, %arg1: i32) -> (i32, i32) {
    %c0_i32 = arith.constant 0 : i32
    %c0_i32_0 = arith.constant 0 : i32
    %c0_i32_1 = arith.constant 0 : i32
    return %c0_i32, %c0_i32_0 : i32, i32
  }
  func.func @transform_6(%arg0: i32, %arg1: i32) -> (i32, i32) {
    %c0_i32 = arith.constant 0 : i32
    %c0_i32_0 = arith.constant 0 : i32
    %c0_i32_1 = arith.constant 0 : i32
    return %c0_i32, %c0_i32_0 : i32, i32
  }
  func.func @transform_7(%arg0: i32, %arg1: i32) -> (i32, i32) {
    %mul3A = arith.constant 80 : i32
    %mul3A_0 = arith.muli %arg1, %mul3A : i32
    %add3A = arith.addi %mul3A_0, %arg0 : i32
    %c0_i32 = arith.constant 0 : i32
    %c0_i32_1 = arith.constant 0 : i32
    return %add3A, %c0_i32 : i32, i32
  }
}

</mosaic_0001>

<sc_bundles>
// kernel: kernel.5.cloned.1.call-start
scs
__scs_entry_jumppad:
0x0: {  	(pc) =	sbr.rel $0x88, $3  }
0x1: {  	(tag) =	ssettag $0x0;
	lr =	simm.s32 $0x1  }
0x2: {  	[smem:$0x3F99] =	sst lr;
	_ =	strace $0xD0000000  }
0x3: {  	_ = 	snop  }
0x4: {  	_ = 	snop  }
0x5: {  	_ = 	snop  }
0x6: {  	_ = 	snop  }
0x7: {  	_ = 	snop  }
__scs_overlays_trampoline_lowered:
0x8: {  	[smem:$0x3FA8] =	sst s0  }
0x9: {  	[smem:$0x3FA9] =	sst s1  }
0xa: {  	[smem:$0x3FAA] =	sst s2  }
0xb: {  	[smem:$0x3FAB] =	sst s3  }
0xc: {  	[smem:$0x3FAC] =	sst s4  }
0xd: {  	[smem:$0x3FAD] =	sst s5  }
0xe: {  	[smem:$0x3FAE] =	sst s6  }
0xf: {  	[smem:$0x3FAF] =	sst s7  }
0x10: {  	[smem:$0x3FB0] =	sst s8  }
0x11: {  	[smem:$0x3FB1] =	sst s9;
	s0 =	simm.s32 @!p0 $0x0  }
0x12: {  	s1 =	sld [smem:$0x3F97];
	s0 =	simm.s32 @p0 $0x1  }
0x13: {  	[smem:$0x3FB2] =	sst s0;
	s0 =	simm.s32 @!p1 $0x0  }
0x14: {  	s2 =	sld [smem:$0x3F96];
	s0 =	simm.s32 @p1 $0x1  }
0x15: {  	[smem:$0x3FB3] =	sst s0;
	s0 =	simm.s32 @!p2 $0x0  }
0x16: {  	s3 =	sld [smem:$0x3FDB];
	s0 =	simm.s32 @p2 $0x1  }
0x17: {  	s4 =	simm.s32 $0x1BF5;
	[smem:$0x3FB5] =	sst s0  }
0x18: {  	s0 =	sld [smem:$0x3F98];
	_ =	swait.ge [sflag:s4], $0x0  }
0x19: {  	s7 =	sld [smem:$0x3F99]  }
0x1a: {  	s8 =	sadd.s32 $0xFFFFE003, lr  }
0x1b: {  	s9 =	sadd.s32 $0xFFFFFEF7, lr;
	s5 =	simm.s32 $0xFFFFFFFF;
	p2 =	slt.u32 s8, $0xFFFFF086  }
0x1c: {  	p1 =	slt.u32 s9, $0xF7A;
	s5 =	simm.s32 @!p2 $0x0  }
0x1d: {  	s5 =	simm.s32 @p1 $0x1;
	p0 =	seq.s32 s7, s2  }
0x1e: {  	s7 =	smul.u32 @!p0 $0xF7A, s2;
	p2 =	seq.s32 @!p0 s5, $0x0  }
0x1f: {  	s9 =	smul.u32 $0xF7A, s1;
	s8 =	simm.s32 @!p0 $0x1BF5;
	p2 =	por !p2, p0  }
0x20: {  	[sflag:s8] =	ssyncset.s32 @!p0 $0xFFFFF086;
	s6 =	sadd.s32 @!p0 s3, s7;
	s7 =	simm.s32 @!p0 $0x108  }
0x21: {  	s3 =	sadd.s32 s3, s9;
	s6 =	sadd.s32 @!p0 $0x88, s6;
	s7 =	simm.s32 @p2 $0x1082  }
0x22: {  	[simem:s7], [sflag:s8] =	dma.local @!p0 [hbm:s6], $0xF7A  }
0x23: {  	s9 =	sor.u32 $0xD0000000, s2;
	s6 =	simm.s32 $0x108;
	_ =	swait.ge @!p0 [sflag:s8], $0x0  }
0x24: {  	s3 =	sadd.s32 $0x88, s3;
	s6 =	simm.s32 @!p1 $0x1082;
	[sflag:s4] =	ssyncset.s32 $0xFFFFF086  }
0x25: {  	[simem:s6], [sflag:s4] =	dma.local [hbm:s3], $0xF7A  }
0x26: {  	[smem:$0x3F99] =	sst s1;
	(tag) =	ssettag s2;
	_ =	strace s9  }
0x27: {  	s1 =	sld [smem:$0x3FA9]  }
0x28: {  	s2 =	sld [smem:$0x3FAA]  }
0x29: {  	s4 =	sld [smem:$0x3FAC]  }
0x2a: {  	p0 =	seq.s32 s5, $0x0;
	s5 =	sld [smem:$0x3FAD]  }
0x2b: {  	s6 =	sld [smem:$0x3FAE]  }
0x2c: {  	s7 =	sld [smem:$0x3FAF]  }
0x2d: {  	s3 =	simm.s32 $0x108;
	s8 =	sld [smem:$0x3FB0]  }
0x2e: {  	s3 =	simm.s32 @!p0 $0x1082;
	s9 =	sld [smem:$0x3FB1]  }
0x2f: {  	lr =	sadd.s32 s0, s3;
	s0 =	sld [smem:$0x3FA8]  }
0x30: {  	s3 =	sld [smem:$0x3FAB]  }
0x31: {  	[smem:$0x3FB4] =	sst s10  }
0x32: {  	s10 =	sld [smem:$0x3FB2];
	_ =	sdelay $0x3  }
0x33: {  	p0 =	seq.s32 s10, $0x1;
	s10 =	sld [smem:$0x3FB4];
	_ =	sdelay $0x3  }
0x34: {  	[smem:$0x3FB4] =	sst s10  }
0x35: {  	s10 =	sld [smem:$0x3FB3];
	_ =	sdelay $0x3  }
0x36: {  	p1 =	seq.s32 s10, $0x1;
	s10 =	sld [smem:$0x3FB4];
	_ =	sdelay $0x3  }
0x37: {  	[smem:$0x3FB4] =	sst s10  }
0x38: {  	s10 =	sld [smem:$0x3FB5]  }
0x39: {  	_ = 	snop;
	(pc) =	sbr.ind lr, $3  }
0x3a: {  	_ = 	snop  }
0x3b: {  	_ = 	snop  }
0x3c: {  	p2 =	seq.s32 s10, $0x1;
	s10 =	sld [smem:$0x3FB4]  }
0x3d: {  	_ =	shalt  }
0x3e: {  	_ =	shalt  }
0x3f: {  	_ =	shalt  }
0x40: {  	_ =	shalt  }
0x41: {  	_ =	shalt  }
0x42: {  	_ =	shalt  }
0x43: {  	_ =	shalt  }
0x44: {  	_ =	shalt  }
0x45: {  	_ =	shalt  }
0x46: {  	_ =	shalt  }
0x47: {  	_ =	shalt  }
0x48: {  	_ =	shalt  }
0x49: {  	_ =	shalt  }
0x4a: {  	_ =	shalt  }
0x4b: {  	_ =	shalt  }
0x4c: {  	_ =	shalt  }
0x4d: {  	_ =	shalt  }
0x4e: {  	_ =	shalt  }
0x4f: {  	_ =	shalt  }
0x50: {  	_ =	shalt  }
0x51: {  	_ =	shalt  }
0x52: {  	_ =	shalt  }
0x53: {  	_ =	shalt  }
0x54: {  	_ =	shalt  }
0x55: {  	_ =	shalt  }
0x56: {  	_ =	shalt  }
0x57: {  	_ =	shalt  }
0x58: {  	_ =	shalt  }
0x59: {  	_ =	shalt  }
0x5a: {  	_ =	shalt  }
0x5b: {  	_ =	shalt  }
0x5c: {  	_ =	shalt  }
0x5d: {  	_ =	shalt  }
0x5e: {  	_ =	shalt  }
0x5f: {  	_ =	shalt  }
0x60: {  	_ =	shalt  }
0x61: {  	_ =	shalt  }
0x62: {  	_ =	shalt  }
0x63: {  	_ =	shalt  }
0x64: {  	_ =	shalt  }
0x65: {  	_ =	shalt  }
0x66: {  	_ =	shalt  }
0x67: {  	_ =	shalt  }
0x68: {  	_ =	shalt  }
0x69: {  	_ =	shalt  }
0x6a: {  	_ =	shalt  }
0x6b: {  	_ =	shalt  }
0x6c: {  	_ =	shalt  }
0x6d: {  	_ =	shalt  }
0x6e: {  	_ =	shalt  }
0x6f: {  	_ =	shalt  }
0x70: {  	_ =	shalt  }
0x71: {  	_ =	shalt  }
0x72: {  	_ =	shalt  }
0x73: {  	_ =	shalt  }
0x74: {  	_ =	shalt  }
0x75: {  	_ =	shalt  }
0x76: {  	_ =	shalt  }
0x77: {  	_ =	shalt  }
0x78: {  	_ =	shalt  }
0x79: {  	_ =	shalt  }
0x7a: {  	_ =	shalt  }
0x7b: {  	_ =	shalt  }
0x7c: {  	_ =	shalt  }
0x7d: {  	_ =	shalt  }
0x7e: {  	_ =	shalt  }
0x7f: {  	_ =	shalt  }
0x80: {  	_ =	shalt  }
0x81: {  	_ =	shalt  }
0x82: {  	_ =	shalt  }
0x83: {  	_ =	shalt  }
0x84: {  	_ =	shalt  }
0x85: {  	_ =	shalt  }
0x86: {  	_ =	shalt  }
0x87: {  	_ =	shalt  }
.Lfunc_end0:
.L_simem_size_0:
called_computation_lowered:
.L_overlay_start_0:
0x88: {  	s2 =	sld [smem:$0x3FD9]  }
0x89: {  	s3 =	sld [smem:$0x3FFE];
	_ =	sdelay $0x1  }
0x8a: {  	s1 =	srdreg.scid  }
0x8b: {  	s0 =	sand.u32 $0x1, s1  }
0x8c: {  	s17 =	sshll.u32 s0, $0xA;
	s2 =	sadd.s32 s3, s2  }
0x8d: {  	s2 =	sadd.s32 s2, s17  }
0x8e: {  	[smem:$0x3FC0] =	sst s2  }
0x8f: {  	_ = 	snop  }
0x90: {  	s2 =	sld [smem:$0x3FD0];
	(tm) =	ssettm $0x1  }
0x91: {  	s18 =	sld [smem:$0x3FFB];
	_ =	sdelay $0x3  }
0x92: {  	_ =	strace s18  }
0x93: {  	s3 =	sld [smem:$0x3FFC];
	_ =	sdelay $0x3  }
0x94: {  	_ =	strace s3  }
0x95: {  	s3 =	sld [smem:$0x3FFD];
	_ =	sdelay $0x3  }
0x96: {  	_ =	strace s3  }
0x97: {  	_ =	strace $0x8FFFFFFF  }
0x98: {  	s19 =	sld [smem:$0x3FDB];
	_ =	sdelay $0x1  }
0x99: {  	s4 =	simm.s32 $_scs_section_size  }
0x9a: {  	s5 =	simm.s32 $_size__tile_overlayer_lowered;
	s6 =	simm.s32 $_tile_overlayer_lowered  }
0x9b: {  	s22 =	simm.s32 $0x1BFF;
	s21 =	sshll.u32 s6, $0x1;
	s3 =	sadd.s32 s4, s19  }
0x9c: {  	s7 =	simm.s32 $0x0;
	s20 =	sshll.u32 s5, $0x1;
	s5 =	sadd.s32 s21, s3  }
0x9d: {  	[timem:s7], [sflag:s22] =	dma.local [hbm:s5], s20  }
0x9e: {  	_ =	swait.ge [sflag:s22], s20  }
0x9f: {  	s4 =	ssub.s32 $0x0, s20;
	[sflag:s22] =	ssyncset.done $0x0  }
0xa0: {  	[sflag:s22] =	ssyncadd.s32 s4;
	_ =	sdelay $0x1  }
0xa1: {  	s23 =	simm.s32 $0x1B8B  }
0xa2: {  	_ =	swait.ge [sflag:s23], $0x1  }
0xa3: {  	[sflag:s23] =	ssyncset.done $0x0  }
0xa4: {  	s25 =	simm.s32 $0x1B8E;
	s24 =	sld [smem:$0x3FFE];
	[sflag:s23] =	ssyncadd.s32 $0xFFFFFFFF  }
0xa5: {  	s26 =	simm.s32 $execute0_lowered;
	[smem:$0x3FD2] =	sst s25  }
0xa6: {  	s5 =	sshll.u32 s26, $0x1;
	_ =	strace $0x80000046;
	[dreg:$0x1] =	wrdreg $0xFFFFFFFF  }
0xa7: {  	s28 =	simm.s32 $_size_execute0_lowered;
	s3 =	sadd.s32 s3, s5;
	[dreg:$0x0] =	wrdreg $0x0  }
0xa8: {  	s5 =	sshll.u32 s28, $0x1;
	[dreg:$0x2] =	wrdreg s3  }
0xa9: {  	[dreg:$0x3] =	wrdreg s5  }
0xaa: {  	[dreg:$0x4] =	wrdreg $0xC0  }
0xab: {  	_ =	task [dreg:s7], $0x5FFFF  }
0xac: {  	[dreg:$0x1] =	wrdreg $0xFFFFFFFF  }
0xad: {  	[dreg:$0x0] =	wrdreg $0x60  }
0xae: {  	[dreg:$0x2] =	wrdreg s24  }
0xaf: {  	[dreg:$0x3] =	wrdreg s2  }
0xb0: {  	[dreg:$0x4] =	wrdreg $0x9  }
0xb1: {  	_ =	task.clear_ibuf [dreg:s7], $0x5FFFF;
	_ =	strace $0x90000046  }
0xb2: {  	s29 =	simm.s32 $0x9;
	_ =	strace $0x80000048  }
0xb3: {  	_ =	swait.ge [sflag:s29], $0x1  }
0xb4: {  	[sflag:s29] =	ssyncadd.s32 $0xFFFFFFFF  }
0xb5: {  	_ =	strace $0x90000048  }
0xb6: {  	_ =	sfence  }
0xb7: {  	s30 =	sld [smem:$0x0];
	_ =	sdelay $0x2  }
0xb8: {  	s31 =	sshll.u32 s1, $0xD;
	s1 =	sshrl.u32 s1, $0x2  }
0xb9: {  	s3 =	sand.u32 $0x4000, s31;
	s1 =	sadd.s32 s1, s30  }
0xba: {  	s0 =	sor.u32 s3, s0;
	s1 =	sshll.u32 s1, $0x11  }
0xbb: {  	s0 =	sor.u32 s1, s0  }
0xbc: {  	s0 =	sadd.s32 $0x8F2B, s0  }
0xbd: {  	[sflag:s0] =	ssyncadd.remote.s32 $0x1  }
0xbe: {  	_ =	sfence.sel $0xFFFF  }
0xbf: {  	[dreg:$0x0] =	wrdreg $0xFFFFFFFF;
	(pc) =	sbr.abs _section_cstart, $3  }
0xc0: {  	[dreg:$0x1] =	wrdreg $0xFFFFFFFF  }
0xc1: {  	_ =	task.clear_ibuf [dreg:s7], $0x2FFFF;
	_ =	strace $0x9FFFFFFF  }
0xc2: {  	(tm) =	ssettm $0x7FFFFFFF  }
0xc3: {  	_ =	shalt  }
tec
execute0_lowered:
.L_overlay_start_1:
0x0: {  	(tag) =	ssettag $0x1  }
0x1: {  	s0 =	rddreg [dreg:$0x0]  }
0x2: {  	s1 =	rddreg [dreg:$0x1];
	s19 =	simm.s32 $0x0;
	s2 =	srdreg.scid  }
0x3: {  	s11 =	stileid.u32;
	s9 =	simm.s32 $0x1;
	s14 =	simm.s32 $0x3  }
0x4: {  	s16 =	simm.s32 $0x80;
	s18 =	simm.s32 $0xA00;
	s28 =	simm.s32 $0x880  }
0x5: {  	s29 =	simm.s32 $0xEA00;
	s30 =	simm.s32 $0x680;
	s31 =	simm.s32 $0x6A00  }
0x6: {  	s13 =	simm.s32 $0x700;
	s15 =	simm.s32 $0x980;
	s17 =	simm.s32 $0x12A00  }
0x7: {  	[smem:$0x7FF] =	sst s19;
	s2 =	sand.u32 $0x1, s2;
	s4 =	sadd.s32 $0xAE00, s0  }
0x8: {  	s5 =	sadd.s32 $0x1000, s0;
	s6 =	sadd.s32 $0x14C00, s0;
	s7 =	sadd.s32 $0x28600, s0  }
0x9: {  	s8 =	sadd.s32 $0x3C000, s0;
	_ =	strace $0x80000047;
	s3 =	sor.u32 s2, s11  }
0xa: {  	p0 =	seq.s32 s2, $0x1;
	s25 =	ssub.s32 $0x2, s2;
	p1 =	seq.s32 s3, $0x0  }
0xb: {  	s12 =	smul.u32 $0x27100, s2;
	s10 =	sshrl.u32 s25, $0x1;
	p0 =	por !p1, !p0  }
0xc: {  	s3 =	simm.s32 $0x8A00;
	s26 =	ssub.s32 s25, s10;
	p0 =	por !p0, !p0  }
0xd: {  	s10 =	simm.s32 $0x1;
	s0 =	smax.u32 s26, $0x1;
	s9 =	simm.s32 @!p0 $0x0  }
0xe: {  	s26 =	simm.s32 $0x4A00;
	[dreg:$0x4] =	wrdreg s0;
	s9 =	ssub.s32 s11, s9  }
0xf: {  	v1 =	vlaneseq.u32;
	s0 =	simm.s32 $0x900;
	s11 =	simm.s32 $0x10;
	p0 =	slt.s32 s9, $0xA  }
0x10: {  	v0 =	vimm.s32 $0x0;
	v1 =	vmul.u32 $0x40, v1;
	s11 =	simm.s32 @!p0 $0xF;
	p0 =	sne.s32 s2, $0x0;
	s2 =	simm.s32 $0x10A00  }
.LBB2_1:
0x11: {  	[dreg:$0x3] =	wrdreg s19;
	s19 =	simm.s32 $0x0  }
.LBB2_2:
0x12: {  	s20 =	sshll.u32 s19, $0x4  }
0x13: {  	s20 =	sadd.s32 s9, s20  }
0x14: {  	s21 =	smul.u32 $0x280, s20;
	_ =	sdelay $0x1  }
0x15: {  	s21 =	sadd.s32 s12, s21  }
0x16: {  	s21 =	sshrl.u32 s21, $0x3  }
0x17: {  	s23 =	simm.s32 $0x0;
	s22 =	sadd.s32 s4, s21  }
0x18: {  	[tilespmem:s23], [sflag:$0x3] =	stream.linear.gather [hbm4b:s22+s23], $0x280, $0x38;
	[tilespmem:$0x14A00] =	vst v63  }
0x19: {  	_ =	swait.ge [sflag:s14], $0x280  }
0x1a: {  	[sflag:s14] =	ssyncset.done $0x0  }
0x1b: {  	s25 =	simm.s32 $0x280;
	s21 =	sadd.s32 s5, s21;
	[sflag:s14] =	ssyncadd.s32 $0xFFFFFD80  }
0x1c: {  	[tilespmem:s25], [sflag:$0x3] =	stream.linear.gather [hbm4b:s21+s23], $0x280, $0x38;
	[tilespmem:$0x14A00] =	vst v63  }
0x1d: {  	_ =	swait.ge [sflag:s14], $0x280  }
0x1e: {  	[sflag:s14] =	ssyncset.done $0x0  }
0x1f: {  	s21 =	simm.s32 $0x0;
	[sflag:s14] =	ssyncadd.s32 $0xFFFFFD80  }
0x20: {  	v2 =	vld [tilespmem:s21+$0x0]  }
0x21: {  	v3 =	vld [tilespmem:s21+$0x280];
	_ =	sdelay $0x1  }
0x22: {  	s22 =	simm.s32 $0x40  }
.LBB2_3:
0x23: {  	p1 =	sne.s32 s22, $0x9C0  }
.Ltmp0:
0x24: {  	s23 =	sshra.s32 s22, $0x2;
	v4 =	vmov v2;
	(pc) =	sbr.rel @p1 .LBB2_3-.Ltmp0, $4  }
0x25: {  	s22 =	sadd.s32 $0x40, s22;
	v2 =	vld [tilespmem:s23+$0x0];
	vm0 =	vgt.s32 v4, v3  }
0x26: {  	v5 =	vsel vm0, v3, v4;
	v4 =	vsel vm0, v4, v3;
	v3 =	vld [tilespmem:s23+$0x280]  }
0x27: {  	[tilespmem:s21+$0x780] =	vst v4  }
0x28: {  	[tilespmem:s21+$0x500] =	vst v5;
	s21 =	smov.u32 s23  }
0x29: {  	_ =	sdelay $0x1  }
0x2a: {  	vm0 =	vgt.s32 v2, v3  }
0x2b: {  	v4 =	vsel vm0, v2, v3  }
0x2c: {  	v2 =	vsel vm0, v3, v2;
	[tilespmem:s21+$0x780] =	vst v4  }
0x2d: {  	s22 =	simm.s32 $0x500;
	[tilespmem:s21+$0x500] =	vst v2  }
0x2e: {  	[tilespmem:s18], [sflag:$0x1] =	stream.indirect.gather [hbm4b:s6+s16], $0x40, s22, s16, $0xb8;
	[tilespmem:$0x14A00] =	vst v63  }
0x2f: {  	s23 =	simm.s32 $0x780;
	s22 =	simm.s32 $0xAA00  }
0x30: {  	[tilespmem:s22], [sflag:$0x1] =	stream.indirect.gather [hbm4b:s7+s16], $0x40, s23, s16, $0xb8;
	[tilespmem:$0x14A00] =	vst v63  }
0x31: {  	s24 =	simm.s32 $0x580;
	s25 =	simm.s32 $0x2A00  }
0x32: {  	[tilespmem:s25], [sflag:$0x1] =	stream.indirect.gather [hbm4b:s6+s16], $0x40, s24, s16, $0xb8;
	[tilespmem:$0x14A00] =	vst v63  }
0x33: {  	s23 =	simm.s32 $0x800;
	s24 =	simm.s32 $0xCA00  }
0x34: {  	[tilespmem:s24], [sflag:$0x1] =	stream.indirect.gather [hbm4b:s7+s16], $0x40, s23, s16, $0xb8;
	[tilespmem:$0x14A00] =	vst v63  }
0x35: {  	s25 =	simm.s32 $0x600  }
0x36: {  	[tilespmem:s26], [sflag:$0x1] =	stream.indirect.gather [hbm4b:s6+s16], $0x40, s25, s16, $0xb8;
	[tilespmem:$0x14A00] =	vst v63  }
0x37: {  	_ = 	snop  }
0x38: {  	[tilespmem:s29], [sflag:$0x1] =	stream.indirect.gather [hbm4b:s7+s16], $0x40, s28, s16, $0xb8;
	[tilespmem:$0x14A00] =	vst v63  }
0x39: {  	_ = 	snop  }
0x3a: {  	[tilespmem:s31], [sflag:$0x1] =	stream.indirect.gather [hbm4b:s6+s16], $0x40, s30, s16, $0xb8;
	[tilespmem:$0x14A00] =	vst v63  }
0x3b: {  	_ = 	snop  }
0x3c: {  	[tilespmem:s2], [sflag:$0x1] =	stream.indirect.gather [hbm4b:s7+s16], $0x40, s0, s16, $0xb8;
	[tilespmem:$0x14A00] =	vst v63  }
0x3d: {  	_ = 	snop  }
0x3e: {  	[tilespmem:s3], [sflag:$0x1] =	stream.indirect.gather [hbm4b:s6+s16], $0x40, s13, s16, $0xb8;
	[tilespmem:$0x14A00] =	vst v63  }
0x3f: {  	_ = 	snop  }
0x40: {  	[tilespmem:s17], [sflag:$0x1] =	stream.indirect.gather [hbm4b:s7+s16], $0x40, s15, s16, $0xb8;
	[tilespmem:$0x14A00] =	vst v63  }
0x41: {  	_ =	swait.ge [sflag:s10], $0x2000  }
0x42: {  	[sflag:s10] =	ssyncset.done $0x0  }
0x43: {  	[sflag:s10] =	ssyncadd.s32 $0xFFFFE000  }
0x44: {  	_ =	swait.ge [sflag:s10], $0x2000  }
0x45: {  	[sflag:s10] =	ssyncset.done $0x0  }
0x46: {  	[sflag:s10] =	ssyncadd.s32 $0xFFFFE000  }
0x47: {  	_ =	swait.ge [sflag:s10], $0x2000  }
0x48: {  	[sflag:s10] =	ssyncset.done $0x0  }
0x49: {  	[sflag:s10] =	ssyncadd.s32 $0xFFFFE000  }
0x4a: {  	_ =	swait.ge [sflag:s10], $0x2000  }
0x4b: {  	[sflag:s10] =	ssyncset.done $0x0  }
0x4c: {  	[sflag:s10] =	ssyncadd.s32 $0xFFFFE000  }
0x4d: {  	_ =	swait.ge [sflag:s10], $0x2000  }
0x4e: {  	[sflag:s10] =	ssyncset.done $0x0  }
0x4f: {  	[sflag:s10] =	ssyncadd.s32 $0xFFFFE000  }
0x50: {  	_ =	swait.ge [sflag:s10], $0x2000  }
0x51: {  	[sflag:s10] =	ssyncset.done $0x0  }
0x52: {  	[sflag:s10] =	ssyncadd.s32 $0xFFFFE000  }
0x53: {  	_ =	swait.ge [sflag:s10], $0x2000  }
0x54: {  	[sflag:s10] =	ssyncset.done $0x0  }
0x55: {  	[sflag:s10] =	ssyncadd.s32 $0xFFFFE000  }
0x56: {  	_ =	swait.ge [sflag:s10], $0x2000  }
0x57: {  	[sflag:s10] =	ssyncset.done $0x0  }
0x58: {  	[sflag:s10] =	ssyncadd.s32 $0xFFFFE000  }
0x59: {  	s21 =	simm.s32 $0x0;
	_ =	swait.ge [sflag:s10], $0x2000  }
0x5a: {  	v2 =	vmov s21;
	[sflag:s10] =	ssyncset.done $0x0  }
0x5b: {  	v2 =	vshll.u32 v2, $0x6;
	[sflag:s10] =	ssyncadd.s32 $0xFFFFE000  }
0x5c: {  	v2 =	vor.u32 v1, v2;
	_ =	swait.ge [sflag:s10], $0x2000  }
0x5d: {  	[sflag:s10] =	ssyncset.done $0x0  }
0x5e: {  	s22 =	simm.s32 $0x280;
	[sflag:s10] =	ssyncadd.s32 $0xFFFFE000  }
0x5f: {  	v5 =	vld [tilespmem:s22+$0x0]  }
0x60: {  	v6 =	vld [tilespmem:s21+$0x0]  }
0x61: {  	s23 =	simm.s32 $0x10;
	v4 =	vld.idx.msk [tilespmem:v2+s18+$0x0], $0xffff  }
0x62: {  	v3 =	vmov s23  }
0x63: {  	v3 =	vshll.u32 v3, $0x6  }
0x64: {  	s23 =	simm.s32 $0x20;
	v3 =	vor.u32 v1, v3  }
.LBB2_5:
0x65: {  	p1 =	sne.s32 s23, $0x270;
	vm0 =	vgt.s32 v6, v5  }
0x66: {  	v4 =	vand.u32 $0xFFFFFFFE, v4;
	v5 =	vsel vm0, $0x1, v0  }
0x67: {  	v4 =	vor.u32 v5, v4  }
0x68: {  	[tilespmem:v2+s18+$0x0] =	vst.idx.msk $0xffff, v4;
	v2 =	vmov v3  }
0x69: {  	s22 =	sadd.s32 $0x10, s22;
	v4 =	vld.idx.msk [tilespmem:v3+s18+$0x0], $0xffff  }
0x6a: {  	s21 =	sadd.s32 $0x10, s21;
	v5 =	vld [tilespmem:s22+$0x0]  }
.Ltmp1:
0x6b: {  	v6 =	vld [tilespmem:s21+$0x0];
	(pc) =	sbr.rel @p1 .LBB2_5-.Ltmp1, $4  }
0x6c: {  	_ = 	snop  }
0x6d: {  	v3 =	vmov s23  }
0x6e: {  	v3 =	vshll.u32 v3, $0x6  }
0x6f: {  	s23 =	sadd.s32 $0x10, s23;
	v3 =	vor.u32 v1, v3  }
0x70: {  	_ = 	snop  }
0x71: {  	vm0 =	vgt.s32 v6, v5  }
0x72: {  	v4 =	vand.u32 $0xFFFFFFFE, v4;
	v5 =	vsel vm0, $0x1, v0  }
0x73: {  	v4 =	vor.u32 v5, v4  }
0x74: {  	s22 =	sadd.s32 $0x10, s22;
	[tilespmem:v2+s18+$0x0] =	vst.idx.msk $0xffff, v4  }
0x75: {  	s21 =	sadd.s32 $0x10, s21;
	v2 =	vld [tilespmem:s22+$0x0]  }
0x76: {  	v4 =	vld [tilespmem:s21+$0x0]  }
0x77: {  	v62 =	vld.idx.msk [tilespmem:v3+s18+$0x0], $0xffff;
	_ =	sdelay $0x2  }
0x78: {  	s21 =	smul.u32 @p0 $0x14000, s20  }
0x79: {  	vm15 =	vgt.s32 v4, v2  }
0x7a: {  	s21 =	sshrl.u32 @p0 s21, $0x3;
	v63 =	vand.u32 $0xFFFFFFFE, v62;
	v2 =	vsel vm15, $0x1, v0  }
0x7b: {  	s23 =	simm.s32 @p0 $0x40;
	s21 =	sor.u32 @p0 $0x8, s21;
	v2 =	vor.u32 v2, v63  }
0x7c: {  	s24 =	simm.s32 @p0 $0x80;
	s25 =	simm.s32 @p0 $0xA00;
	s22 =	sadd.s32 @p0 s1, s21;
	[tilespmem:v3+s18+$0x0] =	vst.idx.msk $0xffff, v2  }
0x7d: {  	[hbm4b:s22+s23] =	stream.strided.scatter @p0 [tilespmem:s25], [sflag:$0x3], $0xA000, s24, s23, $0x38;
	[tilespmem:$0x14A00] =	vst v63  }
0x7e: {  	s22 =	simm.s32 @p0 $0x3  }
0x7f: {  	_ =	swait.ge @p0 [sflag:s22], $0xA000  }
0x80: {  	s20 =	smul.u32 @!p0 $0x14000, s20;
	[sflag:s22] =	ssyncset.done @p0 $0x0  }
0x81: {  	s21 =	sadd.s32 @p0 s8, s21;
	[sflag:s22] =	ssyncadd.s32 @p0 $0xFFFF6000;
	s22 =	simm.s32 @p0 $0xAA00  }
0x82: {  	[hbm4b:s21+s23] =	stream.strided.scatter @p0 [tilespmem:s22], [sflag:$0x2], $0xA000, s24, s23, $0x38;
	[tilespmem:$0x14A00] =	vst v63  }
0x83: {  	s21 =	simm.s32 @p0 $0x2  }
0x84: {  	s20 =	sshrl.u32 @!p0 s20, $0x3;
	_ =	swait.ge @p0 [sflag:s21], $0xA000  }
0x85: {  	s22 =	simm.s32 @!p0 $0x40;
	s23 =	simm.s32 @!p0 $0x80;
	[sflag:s21] =	ssyncset.done @p0 $0x0  }
0x86: {  	s24 =	simm.s32 @!p0 $0xA00;
	[sflag:s21] =	ssyncadd.s32 @p0 $0xFFFF6000;
	s21 =	sadd.s32 @!p0 s1, s20  }
0x87: {  	[hbm4b:s21+s22] =	stream.strided.scatter @!p0 [tilespmem:s24], [sflag:$0x3], $0xA000, s23, s22, $0x38;
	[tilespmem:$0x14A00] =	vst v63  }
0x88: {  	s21 =	simm.s32 @!p0 $0x3  }
0x89: {  	s19 =	sadd.s32 $0x1, s19;
	_ =	swait.ge @!p0 [sflag:s21], $0xA000  }
0x8a: {  	p1 =	sne.s32 s19, s11;
	s20 =	sadd.s32 @!p0 s8, s20;
	[sflag:s21] =	ssyncset.done @!p0 $0x0  }
.Ltmp2:
0x8b: {  	s24 =	simm.s32 @!p0 $0xAA00;
	[sflag:s21] =	ssyncadd.s32 @!p0 $0xFFFF6000;
	(pc) =	sbr.rel @p1 .LBB2_2-.Ltmp2, $4  }
0x8c: {  	[hbm4b:s20+s22] =	stream.strided.scatter @!p0 [tilespmem:s24], [sflag:$0x3], $0xA000, s23, s22, $0x38;
	[tilespmem:$0x14A00] =	vst v63  }
0x8d: {  	_ =	swait.ge @!p0 [sflag:s21], $0xA000  }
0x8e: {  	[sflag:s21] =	ssyncset.done @!p0 $0x0  }
0x8f: {  	[sflag:s21] =	ssyncadd.s32 @!p0 $0xFFFF6000  }
0x90: {  	s19 =	rddreg [dreg:$0x3]  }
0x91: {  	s20 =	rddreg [dreg:$0x4];
	s19 =	sadd.s32 $0x1, s19  }
0x92: {  	p1 =	sne.s32 s19, s20  }
.Ltmp3:
0x93: {  	_ = 	snop;
	(pc) =	sbr.rel @p1 .LBB2_1-.Ltmp3, $1  }
0x94: {  	_ =	sdelay $0x3  }
0x95: {  	_ =	sfence.sel $0x180000  }
0x96: {  	[bflag:$0x0] =	sbarrier.arrive $0xFFFF  }
0x97: {  	_ =	strace $0x90000047  }
0x98: {  	s0 =	stileid.u32;
	[bflag:$0x2] =	sbarrier.arrive $0xFFFF  }
0x99: {  	p0 =	sne.s32 s0, $0x0;
	s0 =	rddreg [dreg:$0x2]  }
0x9a: {  	s0 =	sadd.s32 @!p0 $0x100000, s0  }
0x9b: {  	[sflag:s0] =	ssyncadd.tile.s32 @!p0 $0x1;
	_ =	shalt  }
.Lfunc_end2:
_tile_overlayer_lowered:
.L_overlay_start_2:
0x9c: {  	(tag) =	ssettag $0x2  }
0x9d: {  	s0 =	rddreg [dreg:$0x0];
	s2 =	stileid.u32  }
0x9e: {  	s1 =	rddreg [dreg:$0x1];
	p0 =	sne.s32 s2, $0x0  }
0x9f: {  	s3 =	rddreg [dreg:$0x2];
	[bflag:$0x3] =	sbarrier.arrive $0xFFFF;
	s2 =	simm.s32 @!p0 $0x1C02  }
0xa0: {  	[timem:s3], [sflag:s2] =	dma.local @!p0 [hbm:s0], s1  }
0xa1: {  	s0 =	simm.s32 @!p0 $0x2  }
0xa2: {  	_ =	swait.ge @!p0 [sflag:s0], s1  }
0xa3: {  	s1 =	ssub.s32 @!p0 $0x0, s1;
	[sflag:s0] =	ssyncset.done @!p0 $0x0  }
0xa4: {  	[sflag:s0] =	ssyncadd.s32 @!p0 s1  }
0xa5: {  	[bflag:$0x3] =	sbarrier.arrive $0xFFFF  }
0xa6: {  	_ =	shalt  }

</sc_bundles>
